<compile_context>
chip_gen: v7x
topology: tpu7x:2x2x1
jax: 0.10.2.dev20260603
libtpu: 0.0.44.dev20260713+nightly
codegen_flags: <defaults>
</compile_context>

<pallas_src>
import functools

import jax
import jax.numpy as jnp
from jax import lax
from jax.experimental import pallas as pl
from jax.experimental.pallas import tpu as pltpu
from jax.experimental.pallas import tpu_sc as plsc

BS = 16384
V = 100000
D = 64
IN = 4
H = 32
DP = 2 * D

_INFO = plsc.get_sparse_core_info()
_NC, _NS, _L = _INFO.num_cores, _INFO.num_subcores, _INFO.num_lanes
_NW = _NC * _NS
_BPW = BS // _NW
_IDX_MINOR = 128
_NG = _BPW // _IDX_MINOR

_RP_COLS = 2048
_NBLK = 25
_SPLIT = _NBLK * _RP_COLS
_BMAX = V // _RP_COLS


def _t(x, ident):
    return lax.dot_general(
        x, ident, (((0,), (0,)), ((), ())),
        preferred_element_type=jnp.float32,
    )


def _repack_body(a_ref, b_ref, i64_ref, o_ref):
    ident = i64_ref[...]
    a_t = _t(a_ref[...], ident)
    b_t = _t(b_ref[...], ident)
    o_ref[...] = jnp.concatenate([a_t, b_t], axis=1)


def _tc_repack(embt, i64):
    return pl.pallas_call(
        _repack_body,
        grid=(_NBLK,),
        in_specs=[
            pl.BlockSpec((D, _RP_COLS), lambda i: (0, i)),
            pl.BlockSpec((D, _RP_COLS), lambda i: (0, jnp.minimum(i + _NBLK, _BMAX))),
            pl.BlockSpec((D, D), lambda i: (0, 0)),
        ],
        out_specs=pl.BlockSpec((_RP_COLS, DP), lambda i: (i, 0)),
        out_shape=jax.ShapeDtypeStruct((_SPLIT, DP), jnp.float32),
    )(embt, embt, i64)


def _sc_gather(joint_token, emb2):

    @functools.partial(
        pl.kernel,
        out_type=jax.ShapeDtypeStruct((BS, DP), jnp.float32),
        mesh=plsc.VectorSubcoreMesh(core_axis_name="c", subcore_axis_name="s"),
        scratch_types=[
            pltpu.VMEM((_NG, _IDX_MINOR), jnp.int32),
            pltpu.VMEM((_BPW, DP), jnp.float32),
            pltpu.SemaphoreType.DMA,
        ],
    )
    def body(tok_hbm, emb_hbm, out_hbm, idx_v, rows_v, sem):
        wid = lax.axis_index("s") * _NC + lax.axis_index("c")
        base = wid * _BPW
        for j in range(_NG):
            pltpu.sync_copy(
                tok_hbm.at[pl.ds(base + j * _IDX_MINOR, _IDX_MINOR)],
                idx_v.at[j],
            )
        for g in range(_BPW // _L):
            j, off = divmod(g * _L, _IDX_MINOR)
            t = idx_v[j, pl.ds(off, _L)]
            idx_v[j, pl.ds(off, _L)] = jnp.where(t >= _SPLIT, t - _SPLIT, t)
        copies = [
            pltpu.async_copy(
                emb_hbm.at[idx_v.at[j]],
                rows_v.at[pl.ds(j * _IDX_MINOR, _IDX_MINOR)],
                sem,
            )
            for j in range(_NG)
        ]
        for c in copies:
            c.wait()
        pltpu.sync_copy(rows_v, out_hbm.at[pl.ds(base, _BPW)])

    return body(joint_token, emb2)


_TC_ROWS = 2048
_TOK_ROWS = BS // _TC_ROWS


def _tc_body(infot_ref, tok_ref, g_ref, pad_ref, w1t_ref, b1_ref, w2t_ref,
             i64_ref, o_ref):
    i = pl.program_id(0)
    info_t = infot_ref[...]
    h = lax.dot_general(
        w1t_ref[...], info_t, (((0,), (0,)), ((), ())),
        preferred_element_type=jnp.float32,
    )
    h = h + b1_ref[...].T
    h = 0.5 * h * (1.0 + lax.erf(h * 0.7071067811865476))
    mlp = lax.dot_general(
        w2t_ref[...], h, (((0,), (0,)), ((), ())),
        preferred_element_type=jnp.float32,
    )
    ident = i64_ref[...]
    gpair = g_ref[...]
    lo_t = lax.dot_general(
        ident, gpair[:, :D], (((0,), (1,)), ((), ())),
        preferred_element_type=jnp.float32,
    )
    hi_t = lax.dot_general(
        ident, gpair[:, D:], (((0,), (1,)), ((), ())),
        preferred_element_type=jnp.float32,
    )
    tok_row = tok_ref[pl.ds(i, 1), :]
    sel = jnp.where(tok_row >= _SPLIT, hi_t, lo_t)
    mask = jnp.max(jnp.abs(info_t), axis=0, keepdims=True) == 0.0
    pad_col = pad_ref[...][0:1, :D].T
    o_ref[...] = jnp.where(mask, pad_col, mlp + sel)


def _tc_mlp_add(infot, tok2d, gathered, emb2, W1, b1, W2, i64):
    grid = BS // _TC_ROWS
    return pl.pallas_call(
        _tc_body,
        grid=(grid,),
        in_specs=[
            pl.BlockSpec((IN, _TC_ROWS), lambda i: (0, i)),
            pl.BlockSpec((_TOK_ROWS, _TC_ROWS), lambda i: (0, 0)),
            pl.BlockSpec((_TC_ROWS, DP), lambda i: (i, 0)),
            pl.BlockSpec((8, DP), lambda i: (0, 0)),
            pl.BlockSpec((IN, H), lambda i: (0, 0)),
            pl.BlockSpec((1, H), lambda i: (0, 0)),
            pl.BlockSpec((H, D), lambda i: (0, 0)),
            pl.BlockSpec((D, D), lambda i: (0, 0)),
        ],
        out_specs=pl.BlockSpec((D, _TC_ROWS), lambda i: (0, i)),
        out_shape=jax.ShapeDtypeStruct((D, BS), jnp.float32),
    )(
        infot,
        tok2d,
        gathered,
        emb2,
        W1.T,
        b1.reshape(1, H),
        W2.T,
        i64,
    )


def kernel(joint_info, joint_token, emb, W1, b1, W2):
    tok = joint_token.astype(jnp.int32)
    i64 = jnp.eye(D, dtype=jnp.float32)
    emb2 = _tc_repack(emb.T, i64)
    gathered = _sc_gather(tok, emb2)
    out_t = _tc_mlp_add(
        joint_info.T,
        tok.reshape(_TOK_ROWS, _TC_ROWS),
        gathered,
        emb2,
        W1,
        b1,
        W2,
        i64,
    )
    return out_t.T

# --- scband reference (transcript-rebuilt; emitter-appended) ---
"""Pipeline reference for scband-embedder-89687507076271 (READ-ONLY COPY).

The authoritative reference and input builder live on the scoring server;
editing this copy changes nothing except your own understanding.
"""

import jax, jax.numpy as jnp
import numpy as np

BS = 16384
V = 100000
D = 64
IN = 4
H = 32

def setup_inputs(seed: int = 0) -> dict:
    key = jax.random.key(seed)
    k1, k2, k3, k4, k5 = jax.random.split(key, 5)
    joint_info = jax.random.normal(k1, (BS, IN), dtype=jnp.float32)
    joint_token = jax.random.randint(k2, (BS,), 0, V)
    emb = jax.random.normal(k3, (V, D), dtype=jnp.float32) * 0.02
    W1 = jax.random.normal(k4, (H, IN), dtype=jnp.float32) * (1.0 / np.sqrt(IN))
    b1 = jnp.zeros((H,), dtype=jnp.float32)
    W2 = jax.random.normal(k5, (D, H), dtype=jnp.float32) * (1.0 / np.sqrt(H))
    return {"joint_info": joint_info, "joint_token": joint_token, "emb": emb, "W1": W1, "b1": b1, "W2": W2}

def reference(joint_info, joint_token, emb, W1, b1, W2):
    # Embedding lookup for joint tokens (SparseCore gather)
    emb_out = jnp.take(emb, joint_token, axis=0)
    # Pad mask: rows whose joint_info is all-zero get pad embedding (token 0)
    pad_mask = jnp.all(joint_info == 0, axis=-1)
    # 2-layer MLP branch (num_layer==2): Linear(4,32,bias) -> GELU -> Linear(32,64,no bias)
    # No residual adds fire since layer output dims (32, 64) never match input dims (4, 32).
    h = joint_info @ W1.T + b1
    h = jax.nn.gelu(h, approximate=False)
    out = h @ W2.T
    # use_embedding: add token embedding to MLP output
    out = out + emb_out
    # Pad rows overwritten with embedding of token 0
    pad_emb = emb[0]
    embedding_vec = jnp.where(pad_mask[:, None], pad_emb[None, :], out)
    return embedding_vec

if __name__ == "__main__":
    import jax
    _d = setup_inputs()
    print(jax.jit(kernel)(*tuple(_d.values())))

</pallas_src>

<mosaic_0001>
#map = affine_map<(d0, d1) -> (0)>
#map1 = affine_map<(d0, d1) -> (0, 0)>
module attributes {stable_mosaic.version = 14 : i64} {
  func.func @body(%arg0: i32, %arg1: i32, %arg2: memref<16384xi32, #tpu.memory_space<hbm>>, %arg3: memref<51200x128xf32, #tpu.memory_space<hbm>>, %arg4: memref<16384x128xf32, #tpu.memory_space<hbm>>, %arg5: memref<4x128xi32, #tpu.memory_space<vmem>>, %arg6: memref<512x128xf32, #tpu.memory_space<vmem>>, %arg7: memref<!tpu.dma_semaphore, #tpu.memory_space<semaphore_mem>>) attributes {dimension_semantics = [#tpu.dimension_semantics<core_parallel>, #tpu.dimension_semantics<subcore_parallel>], iteration_bounds = array<i64: 2, 16>, scalar_prefetch = 0 : i64, scratch_operands = 3 : i64, tpu.core_type = #tpu.core_type<sc_vector_subcore>, window_params = [{transform_indices = #map}, {transform_indices = #map1}, {transform_indices = #map1}]} {
    %mul3A = arith.constant 2 : i32
    %mul3A_0 = arith.muli %arg1, %mul3A : i32
    %add3A = arith.addi %mul3A_0, %arg0 : i32
    %mul3A_1 = arith.constant 512 : i32
    %mul3A_2 = arith.muli %add3A, %mul3A_1 : i32
    %add3A_3 = arith.constant 0 : i32
    %add3A_4 = arith.addi %mul3A_2, %add3A_3 : i32
    %run_scoped3A = arith.constant 0 : i32
    "tpu.region"() ({
      %run_scoped3A_663 = tpu.sem_alloc : memref<!tpu.dma_semaphore, #tpu.memory_space<semaphore_mem>>
      %dma_start3A_664 = arith.constant 0 : i32
      %dma_start3A_665 = tpu.memref_slice %arg5[%run_scoped3A, %dma_start3A_664] : memref<4x128xi32, #tpu.memory_space<vmem>> -> memref<1x128xi32, #tpu.memory_space<vmem>>
      %dma_start3A_666 = tpu.memref_squeeze %dma_start3A_665 : memref<1x128xi32, #tpu.memory_space<vmem>> -> memref<128xi32, #tpu.memory_space<vmem>>
      %dma_start3A_667 = tpu.memref_slice %arg2[%add3A_4] : memref<16384xi32, #tpu.memory_space<hbm>> -> memref<128xi32, #tpu.memory_space<hbm>>
      %dma_start3A_668 = arith.constant 0 : i32
      %dma_start3A_669 = tpu.memref_slice %arg5[%run_scoped3A, %dma_start3A_668] : memref<4x128xi32, #tpu.memory_space<vmem>> -> memref<1x128xi32, #tpu.memory_space<vmem>>
      %dma_start3A_670 = tpu.memref_squeeze %dma_start3A_669 : memref<1x128xi32, #tpu.memory_space<vmem>> -> memref<128xi32, #tpu.memory_space<vmem>>
      %dma_start3A_671 = tpu.memref_slice %arg2[%add3A_4] : memref<16384xi32, #tpu.memory_space<hbm>> -> memref<128xi32, #tpu.memory_space<hbm>>
      tpu.enqueue_dma source(%dma_start3A_671 : memref<128xi32, #tpu.memory_space<hbm>>) target(%dma_start3A_670 : memref<128xi32, #tpu.memory_space<vmem>>) target_semaphore(%run_scoped3A_663 : memref<!tpu.dma_semaphore, #tpu.memory_space<semaphore_mem>>)
      %dma_wait3A_672 = arith.constant 0 : i32
      %dma_wait3A_673 = tpu.memref_slice %arg5[%run_scoped3A, %dma_wait3A_672] : memref<4x128xi32, #tpu.memory_space<vmem>> -> memref<1x128xi32, #tpu.memory_space<vmem>>
      %dma_wait3A_674 = tpu.memref_squeeze %dma_wait3A_673 : memref<1x128xi32, #tpu.memory_space<vmem>> -> memref<128xi32, #tpu.memory_space<vmem>>
      %dma_wait3A_675 = tpu.memref_slice %arg2[%add3A_4] : memref<16384xi32, #tpu.memory_space<hbm>> -> memref<128xi32, #tpu.memory_space<hbm>>
      %dma_wait3A_676 = arith.constant 0 : i32
      %dma_wait3A_677 = tpu.memref_slice %arg5[%run_scoped3A, %dma_wait3A_676] : memref<4x128xi32, #tpu.memory_space<vmem>> -> memref<1x128xi32, #tpu.memory_space<vmem>>
      %dma_wait3A_678 = tpu.memref_squeeze %dma_wait3A_677 : memref<1x128xi32, #tpu.memory_space<vmem>> -> memref<128xi32, #tpu.memory_space<vmem>>
      %dma_wait3A_679 = tpu.memref_slice %arg2[%add3A_4] : memref<16384xi32, #tpu.memory_space<hbm>> -> memref<128xi32, #tpu.memory_space<hbm>>
      tpu.wait_dma2 semaphore(%run_scoped3A_663 : memref<!tpu.dma_semaphore, #tpu.memory_space<semaphore_mem>>) src(%dma_wait3A_679 : memref<128xi32, #tpu.memory_space<hbm>>) dst(%dma_wait3A_678 : memref<128xi32, #tpu.memory_space<vmem>>)
      tpu.yield
    }) : () -> ()
    %add3A_5 = arith.constant 128 : i32
    %add3A_6 = arith.addi %mul3A_2, %add3A_5 : i32
    %run_scoped3A_7 = arith.constant 1 : i32
    "tpu.region"() ({
      %run_scoped3A_663 = tpu.sem_alloc : memref<!tpu.dma_semaphore, #tpu.memory_space<semaphore_mem>>
      %dma_start3A_664 = arith.constant 0 : i32
      %dma_start3A_665 = tpu.memref_slice %arg5[%run_scoped3A_7, %dma_start3A_664] : memref<4x128xi32, #tpu.memory_space<vmem>> -> memref<1x128xi32, #tpu.memory_space<vmem>>
      %dma_start3A_666 = tpu.memref_squeeze %dma_start3A_665 : memref<1x128xi32, #tpu.memory_space<vmem>> -> memref<128xi32, #tpu.memory_space<vmem>>
      %dma_start3A_667 = tpu.memref_slice %arg2[%add3A_6] : memref<16384xi32, #tpu.memory_space<hbm>> -> memref<128xi32, #tpu.memory_space<hbm>>
      %dma_start3A_668 = arith.constant 0 : i32
      %dma_start3A_669 = tpu.memref_slice %arg5[%run_scoped3A_7, %dma_start3A_668] : memref<4x128xi32, #tpu.memory_space<vmem>> -> memref<1x128xi32, #tpu.memory_space<vmem>>
      %dma_start3A_670 = tpu.memref_squeeze %dma_start3A_669 : memref<1x128xi32, #tpu.memory_space<vmem>> -> memref<128xi32, #tpu.memory_space<vmem>>
      %dma_start3A_671 = tpu.memref_slice %arg2[%add3A_6] : memref<16384xi32, #tpu.memory_space<hbm>> -> memref<128xi32, #tpu.memory_space<hbm>>
      tpu.enqueue_dma source(%dma_start3A_671 : memref<128xi32, #tpu.memory_space<hbm>>) target(%dma_start3A_670 : memref<128xi32, #tpu.memory_space<vmem>>) target_semaphore(%run_scoped3A_663 : memref<!tpu.dma_semaphore, #tpu.memory_space<semaphore_mem>>)
      %dma_wait3A_672 = arith.constant 0 : i32
      %dma_wait3A_673 = tpu.memref_slice %arg5[%run_scoped3A_7, %dma_wait3A_672] : memref<4x128xi32, #tpu.memory_space<vmem>> -> memref<1x128xi32, #tpu.memory_space<vmem>>
      %dma_wait3A_674 = tpu.memref_squeeze %dma_wait3A_673 : memref<1x128xi32, #tpu.memory_space<vmem>> -> memref<128xi32, #tpu.memory_space<vmem>>
      %dma_wait3A_675 = tpu.memref_slice %arg2[%add3A_6] : memref<16384xi32, #tpu.memory_space<hbm>> -> memref<128xi32, #tpu.memory_space<hbm>>
      %dma_wait3A_676 = arith.constant 0 : i32
      %dma_wait3A_677 = tpu.memref_slice %arg5[%run_scoped3A_7, %dma_wait3A_676] : memref<4x128xi32, #tpu.memory_space<vmem>> -> memref<1x128xi32, #tpu.memory_space<vmem>>
      %dma_wait3A_678 = tpu.memref_squeeze %dma_wait3A_677 : memref<1x128xi32, #tpu.memory_space<vmem>> -> memref<128xi32, #tpu.memory_space<vmem>>
      %dma_wait3A_679 = tpu.memref_slice %arg2[%add3A_6] : memref<16384xi32, #tpu.memory_space<hbm>> -> memref<128xi32, #tpu.memory_space<hbm>>
      tpu.wait_dma2 semaphore(%run_scoped3A_663 : memref<!tpu.dma_semaphore, #tpu.memory_space<semaphore_mem>>) src(%dma_wait3A_679 : memref<128xi32, #tpu.memory_space<hbm>>) dst(%dma_wait3A_678 : memref<128xi32, #tpu.memory_space<vmem>>)
      tpu.yield
    }) : () -> ()
    %add3A_8 = arith.constant 256 : i32
    %add3A_9 = arith.addi %mul3A_2, %add3A_8 : i32
    %run_scoped3A_10 = arith.constant 2 : i32
    "tpu.region"() ({
      %run_scoped3A_663 = tpu.sem_alloc : memref<!tpu.dma_semaphore, #tpu.memory_space<semaphore_mem>>
      %dma_start3A_664 = arith.constant 0 : i32
      %dma_start3A_665 = tpu.memref_slice %arg5[%run_scoped3A_10, %dma_start3A_664] : memref<4x128xi32, #tpu.memory_space<vmem>> -> memref<1x128xi32, #tpu.memory_space<vmem>>
      %dma_start3A_666 = tpu.memref_squeeze %dma_start3A_665 : memref<1x128xi32, #tpu.memory_space<vmem>> -> memref<128xi32, #tpu.memory_space<vmem>>
      %dma_start3A_667 = tpu.memref_slice %arg2[%add3A_9] : memref<16384xi32, #tpu.memory_space<hbm>> -> memref<128xi32, #tpu.memory_space<hbm>>
      %dma_start3A_668 = arith.constant 0 : i32
      %dma_start3A_669 = tpu.memref_slice %arg5[%run_scoped3A_10, %dma_start3A_668] : memref<4x128xi32, #tpu.memory_space<vmem>> -> memref<1x128xi32, #tpu.memory_space<vmem>>
      %dma_start3A_670 = tpu.memref_squeeze %dma_start3A_669 : memref<1x128xi32, #tpu.memory_space<vmem>> -> memref<128xi32, #tpu.memory_space<vmem>>
      %dma_start3A_671 = tpu.memref_slice %arg2[%add3A_9] : memref<16384xi32, #tpu.memory_space<hbm>> -> memref<128xi32, #tpu.memory_space<hbm>>
      tpu.enqueue_dma source(%dma_start3A_671 : memref<128xi32, #tpu.memory_space<hbm>>) target(%dma_start3A_670 : memref<128xi32, #tpu.memory_space<vmem>>) target_semaphore(%run_scoped3A_663 : memref<!tpu.dma_semaphore, #tpu.memory_space<semaphore_mem>>)
      %dma_wait3A_672 = arith.constant 0 : i32
      %dma_wait3A_673 = tpu.memref_slice %arg5[%run_scoped3A_10, %dma_wait3A_672] : memref<4x128xi32, #tpu.memory_space<vmem>> -> memref<1x128xi32, #tpu.memory_space<vmem>>
      %dma_wait3A_674 = tpu.memref_squeeze %dma_wait3A_673 : memref<1x128xi32, #tpu.memory_space<vmem>> -> memref<128xi32, #tpu.memory_space<vmem>>
      %dma_wait3A_675 = tpu.memref_slice %arg2[%add3A_9] : memref<16384xi32, #tpu.memory_space<hbm>> -> memref<128xi32, #tpu.memory_space<hbm>>
      %dma_wait3A_676 = arith.constant 0 : i32
      %dma_wait3A_677 = tpu.memref_slice %arg5[%run_scoped3A_10, %dma_wait3A_676] : memref<4x128xi32, #tpu.memory_space<vmem>> -> memref<1x128xi32, #tpu.memory_space<vmem>>
      %dma_wait3A_678 = tpu.memref_squeeze %dma_wait3A_677 : memref<1x128xi32, #tpu.memory_space<vmem>> -> memref<128xi32, #tpu.memory_space<vmem>>
      %dma_wait3A_679 = tpu.memref_slice %arg2[%add3A_9] : memref<16384xi32, #tpu.memory_space<hbm>> -> memref<128xi32, #tpu.memory_space<hbm>>
      tpu.wait_dma2 semaphore(%run_scoped3A_663 : memref<!tpu.dma_semaphore, #tpu.memory_space<semaphore_mem>>) src(%dma_wait3A_679 : memref<128xi32, #tpu.memory_space<hbm>>) dst(%dma_wait3A_678 : memref<128xi32, #tpu.memory_space<vmem>>)
      tpu.yield
    }) : () -> ()
    %add3A_11 = arith.constant 384 : i32
    %add3A_12 = arith.addi %mul3A_2, %add3A_11 : i32
    %run_scoped3A_13 = arith.constant 3 : i32
    "tpu.region"() ({
      %run_scoped3A_663 = tpu.sem_alloc : memref<!tpu.dma_semaphore, #tpu.memory_space<semaphore_mem>>
      %dma_start3A_664 = arith.constant 0 : i32
      %dma_start3A_665 = tpu.memref_slice %arg5[%run_scoped3A_13, %dma_start3A_664] : memref<4x128xi32, #tpu.memory_space<vmem>> -> memref<1x128xi32, #tpu.memory_space<vmem>>
      %dma_start3A_666 = tpu.memref_squeeze %dma_start3A_665 : memref<1x128xi32, #tpu.memory_space<vmem>> -> memref<128xi32, #tpu.memory_space<vmem>>
      %dma_start3A_667 = tpu.memref_slice %arg2[%add3A_12] : memref<16384xi32, #tpu.memory_space<hbm>> -> memref<128xi32, #tpu.memory_space<hbm>>
      %dma_start3A_668 = arith.constant 0 : i32
      %dma_start3A_669 = tpu.memref_slice %arg5[%run_scoped3A_13, %dma_start3A_668] : memref<4x128xi32, #tpu.memory_space<vmem>> -> memref<1x128xi32, #tpu.memory_space<vmem>>
      %dma_start3A_670 = tpu.memref_squeeze %dma_start3A_669 : memref<1x128xi32, #tpu.memory_space<vmem>> -> memref<128xi32, #tpu.memory_space<vmem>>
      %dma_start3A_671 = tpu.memref_slice %arg2[%add3A_12] : memref<16384xi32, #tpu.memory_space<hbm>> -> memref<128xi32, #tpu.memory_space<hbm>>
      tpu.enqueue_dma source(%dma_start3A_671 : memref<128xi32, #tpu.memory_space<hbm>>) target(%dma_start3A_670 : memref<128xi32, #tpu.memory_space<vmem>>) target_semaphore(%run_scoped3A_663 : memref<!tpu.dma_semaphore, #tpu.memory_space<semaphore_mem>>)
      %dma_wait3A_672 = arith.constant 0 : i32
      %dma_wait3A_673 = tpu.memref_slice %arg5[%run_scoped3A_13, %dma_wait3A_672] : memref<4x128xi32, #tpu.memory_space<vmem>> -> memref<1x128xi32, #tpu.memory_space<vmem>>
      %dma_wait3A_674 = tpu.memref_squeeze %dma_wait3A_673 : memref<1x128xi32, #tpu.memory_space<vmem>> -> memref<128xi32, #tpu.memory_space<vmem>>
      %dma_wait3A_675 = tpu.memref_slice %arg2[%add3A_12] : memref<16384xi32, #tpu.memory_space<hbm>> -> memref<128xi32, #tpu.memory_space<hbm>>
      %dma_wait3A_676 = arith.constant 0 : i32
      %dma_wait3A_677 = tpu.memref_slice %arg5[%run_scoped3A_13, %dma_wait3A_676] : memref<4x128xi32, #tpu.memory_space<vmem>> -> memref<1x128xi32, #tpu.memory_space<vmem>>
      %dma_wait3A_678 = tpu.memref_squeeze %dma_wait3A_677 : memref<1x128xi32, #tpu.memory_space<vmem>> -> memref<128xi32, #tpu.memory_space<vmem>>
      %dma_wait3A_679 = tpu.memref_slice %arg2[%add3A_12] : memref<16384xi32, #tpu.memory_space<hbm>> -> memref<128xi32, #tpu.memory_space<hbm>>
      tpu.wait_dma2 semaphore(%run_scoped3A_663 : memref<!tpu.dma_semaphore, #tpu.memory_space<semaphore_mem>>) src(%dma_wait3A_679 : memref<128xi32, #tpu.memory_space<hbm>>) dst(%dma_wait3A_678 : memref<128xi32, #tpu.memory_space<vmem>>)
      tpu.yield
    }) : () -> ()
    %get3A = arith.constant 0 : i32
    %get3A_14 = arith.index_cast %get3A : i32 to index
    %get3A_15 = arith.constant 0 : index
    %get3A_16 = tpu.vector_load %arg5[%get3A_14, %get3A_15] {strides = array<i32>} : memref<4x128xi32, #tpu.memory_space<vmem>>, vector<1x16xi32>,
    %get3A_17 = vector.shape_cast %get3A_16 : vector<1x16xi32> to vector<16xi32>
    %ge3A = arith.constant 51200 : i32
    %ge3A_18 = vector.broadcast %ge3A : i32 to vector<16xi32>
    %ge3A_19 = arith.cmpi sge, %get3A_17, %ge3A_18 : vector<16xi32>
    %sub3A = arith.constant 51200 : i32
    %sub3A_20 = vector.broadcast %sub3A : i32 to vector<16xi32>
    %sub3A_21 = arith.subi %get3A_17, %sub3A_20 : vector<16xi32>
    %select_n3A = arith.select %ge3A_19, %sub3A_21, %get3A_17 : vector<16xi1>, vector<16xi32>
    %swap3A = arith.constant 0 : i32
    %swap3A_22 = arith.index_cast %swap3A : i32 to index
    %swap3A_23 = arith.constant 0 : index
    %swap3A_24 = tpu.vector_load %arg5[%swap3A_22, %swap3A_23] {strides = array<i32>} : memref<4x128xi32, #tpu.memory_space<vmem>>, vector<1x16xi32>,
    %swap3A_25 = vector.shape_cast %swap3A_24 : vector<1x16xi32> to vector<16xi32>
    %swap3A_26 = vector.shape_cast %select_n3A : vector<16xi32> to vector<1x16xi32>
    tpu.vector_store %arg5[%swap3A_22, %swap3A_23], %swap3A_26 {strides = array<i32>} : memref<4x128xi32, #tpu.memory_space<vmem>>, vector<1x16xi32>,
    %get3A_27 = arith.constant 0 : i32
    %get3A_28 = arith.index_cast %get3A_27 : i32 to index
    %get3A_29 = arith.constant 16 : index
    %get3A_30 = tpu.vector_load %arg5[%get3A_28, %get3A_29] {strides = array<i32>} : memref<4x128xi32, #tpu.memory_space<vmem>>, vector<1x16xi32>,
    %get3A_31 = vector.shape_cast %get3A_30 : vector<1x16xi32> to vector<16xi32>
    %ge3A_32 = arith.constant 51200 : i32
    %ge3A_33 = vector.broadcast %ge3A_32 : i32 to vector<16xi32>
    %ge3A_34 = arith.cmpi sge, %get3A_31, %ge3A_33 : vector<16xi32>
    %sub3A_35 = arith.constant 51200 : i32
    %sub3A_36 = vector.broadcast %sub3A_35 : i32 to vector<16xi32>
    %sub3A_37 = arith.subi %get3A_31, %sub3A_36 : vector<16xi32>
    %select_n3A_38 = arith.select %ge3A_34, %sub3A_37, %get3A_31 : vector<16xi1>, vector<16xi32>
    %swap3A_39 = arith.constant 0 : i32
    %swap3A_40 = arith.index_cast %swap3A_39 : i32 to index
    %swap3A_41 = arith.constant 16 : index
    %swap3A_42 = tpu.vector_load %arg5[%swap3A_40, %swap3A_41] {strides = array<i32>} : memref<4x128xi32, #tpu.memory_space<vmem>>, vector<1x16xi32>,
    %swap3A_43 = vector.shape_cast %swap3A_42 : vector<1x16xi32> to vector<16xi32>
    %swap3A_44 = vector.shape_cast %select_n3A_38 : vector<16xi32> to vector<1x16xi32>
    tpu.vector_store %arg5[%swap3A_40, %swap3A_41], %swap3A_44 {strides = array<i32>} : memref<4x128xi32, #tpu.memory_space<vmem>>, vector<1x16xi32>,
    %get3A_45 = arith.constant 0 : i32
    %get3A_46 = arith.index_cast %get3A_45 : i32 to index
    %get3A_47 = arith.constant 32 : index
    %get3A_48 = tpu.vector_load %arg5[%get3A_46, %get3A_47] {strides = array<i32>} : memref<4x128xi32, #tpu.memory_space<vmem>>, vector<1x16xi32>,
    %get3A_49 = vector.shape_cast %get3A_48 : vector<1x16xi32> to vector<16xi32>
    %ge3A_50 = arith.constant 51200 : i32
    %ge3A_51 = vector.broadcast %ge3A_50 : i32 to vector<16xi32>
    %ge3A_52 = arith.cmpi sge, %get3A_49, %ge3A_51 : vector<16xi32>
    %sub3A_53 = arith.constant 51200 : i32
    %sub3A_54 = vector.broadcast %sub3A_53 : i32 to vector<16xi32>
    %sub3A_55 = arith.subi %get3A_49, %sub3A_54 : vector<16xi32>
    %select_n3A_56 = arith.select %ge3A_52, %sub3A_55, %get3A_49 : vector<16xi1>, vector<16xi32>
    %swap3A_57 = arith.constant 0 : i32
    %swap3A_58 = arith.index_cast %swap3A_57 : i32 to index
    %swap3A_59 = arith.constant 32 : index
    %swap3A_60 = tpu.vector_load %arg5[%swap3A_58, %swap3A_59] {strides = array<i32>} : memref<4x128xi32, #tpu.memory_space<vmem>>, vector<1x16xi32>,
    %swap3A_61 = vector.shape_cast %swap3A_60 : vector<1x16xi32> to vector<16xi32>
    %swap3A_62 = vector.shape_cast %select_n3A_56 : vector<16xi32> to vector<1x16xi32>
    tpu.vector_store %arg5[%swap3A_58, %swap3A_59], %swap3A_62 {strides = array<i32>} : memref<4x128xi32, #tpu.memory_space<vmem>>, vector<1x16xi32>,
    %get3A_63 = arith.constant 0 : i32
    %get3A_64 = arith.index_cast %get3A_63 : i32 to index
    %get3A_65 = arith.constant 48 : index
    %get3A_66 = tpu.vector_load %arg5[%get3A_64, %get3A_65] {strides = array<i32>} : memref<4x128xi32, #tpu.memory_space<vmem>>, vector<1x16xi32>,
    %get3A_67 = vector.shape_cast %get3A_66 : vector<1x16xi32> to vector<16xi32>
    %ge3A_68 = arith.constant 51200 : i32
    %ge3A_69 = vector.broadcast %ge3A_68 : i32 to vector<16xi32>
    %ge3A_70 = arith.cmpi sge, %get3A_67, %ge3A_69 : vector<16xi32>
    %sub3A_71 = arith.constant 51200 : i32
    %sub3A_72 = vector.broadcast %sub3A_71 : i32 to vector<16xi32>
    %sub3A_73 = arith.subi %get3A_67, %sub3A_72 : vector<16xi32>
    %select_n3A_74 = arith.select %ge3A_70, %sub3A_73, %get3A_67 : vector<16xi1>, vector<16xi32>
    %swap3A_75 = arith.constant 0 : i32
    %swap3A_76 = arith.index_cast %swap3A_75 : i32 to index
    %swap3A_77 = arith.constant 48 : index
    %swap3A_78 = tpu.vector_load %arg5[%swap3A_76, %swap3A_77] {strides = array<i32>} : memref<4x128xi32, #tpu.memory_space<vmem>>, vector<1x16xi32>,
    %swap3A_79 = vector.shape_cast %swap3A_78 : vector<1x16xi32> to vector<16xi32>
    %swap3A_80 = vector.shape_cast %select_n3A_74 : vector<16xi32> to vector<1x16xi32>
    tpu.vector_store %arg5[%swap3A_76, %swap3A_77], %swap3A_80 {strides = array<i32>} : memref<4x128xi32, #tpu.memory_space<vmem>>, vector<1x16xi32>,
    %get3A_81 = arith.constant 0 : i32
    %get3A_82 = arith.index_cast %get3A_81 : i32 to index
    %get3A_83 = arith.constant 64 : index
    %get3A_84 = tpu.vector_load %arg5[%get3A_82, %get3A_83] {strides = array<i32>} : memref<4x128xi32, #tpu.memory_space<vmem>>, vector<1x16xi32>,
    %get3A_85 = vector.shape_cast %get3A_84 : vector<1x16xi32> to vector<16xi32>
    %ge3A_86 = arith.constant 51200 : i32
    %ge3A_87 = vector.broadcast %ge3A_86 : i32 to vector<16xi32>
    %ge3A_88 = arith.cmpi sge, %get3A_85, %ge3A_87 : vector<16xi32>
    %sub3A_89 = arith.constant 51200 : i32
    %sub3A_90 = vector.broadcast %sub3A_89 : i32 to vector<16xi32>
    %sub3A_91 = arith.subi %get3A_85, %sub3A_90 : vector<16xi32>
    %select_n3A_92 = arith.select %ge3A_88, %sub3A_91, %get3A_85 : vector<16xi1>, vector<16xi32>
    %swap3A_93 = arith.constant 0 : i32
    %swap3A_94 = arith.index_cast %swap3A_93 : i32 to index
    %swap3A_95 = arith.constant 64 : index
    %swap3A_96 = tpu.vector_load %arg5[%swap3A_94, %swap3A_95] {strides = array<i32>} : memref<4x128xi32, #tpu.memory_space<vmem>>, vector<1x16xi32>,
    %swap3A_97 = vector.shape_cast %swap3A_96 : vector<1x16xi32> to vector<16xi32>
    %swap3A_98 = vector.shape_cast %select_n3A_92 : vector<16xi32> to vector<1x16xi32>
    tpu.vector_store %arg5[%swap3A_94, %swap3A_95], %swap3A_98 {strides = array<i32>} : memref<4x128xi32, #tpu.memory_space<vmem>>, vector<1x16xi32>,
    %get3A_99 = arith.constant 0 : i32
    %get3A_100 = arith.index_cast %get3A_99 : i32 to index
    %get3A_101 = arith.constant 80 : index
    %get3A_102 = tpu.vector_load %arg5[%get3A_100, %get3A_101] {strides = array<i32>} : memref<4x128xi32, #tpu.memory_space<vmem>>, vector<1x16xi32>,
    %get3A_103 = vector.shape_cast %get3A_102 : vector<1x16xi32> to vector<16xi32>
    %ge3A_104 = arith.constant 51200 : i32
    %ge3A_105 = vector.broadcast %ge3A_104 : i32 to vector<16xi32>
    %ge3A_106 = arith.cmpi sge, %get3A_103, %ge3A_105 : vector<16xi32>
    %sub3A_107 = arith.constant 51200 : i32
    %sub3A_108 = vector.broadcast %sub3A_107 : i32 to vector<16xi32>
    %sub3A_109 = arith.subi %get3A_103, %sub3A_108 : vector<16xi32>
    %select_n3A_110 = arith.select %ge3A_106, %sub3A_109, %get3A_103 : vector<16xi1>, vector<16xi32>
    %swap3A_111 = arith.constant 0 : i32
    %swap3A_112 = arith.index_cast %swap3A_111 : i32 to index
    %swap3A_113 = arith.constant 80 : index
    %swap3A_114 = tpu.vector_load %arg5[%swap3A_112, %swap3A_113] {strides = array<i32>} : memref<4x128xi32, #tpu.memory_space<vmem>>, vector<1x16xi32>,
    %swap3A_115 = vector.shape_cast %swap3A_114 : vector<1x16xi32> to vector<16xi32>
    %swap3A_116 = vector.shape_cast %select_n3A_110 : vector<16xi32> to vector<1x16xi32>
    tpu.vector_store %arg5[%swap3A_112, %swap3A_113], %swap3A_116 {strides = array<i32>} : memref<4x128xi32, #tpu.memory_space<vmem>>, vector<1x16xi32>,
    %get3A_117 = arith.constant 0 : i32
    %get3A_118 = arith.index_cast %get3A_117 : i32 to index
    %get3A_119 = arith.constant 96 : index
    %get3A_120 = tpu.vector_load %arg5[%get3A_118, %get3A_119] {strides = array<i32>} : memref<4x128xi32, #tpu.memory_space<vmem>>, vector<1x16xi32>,
    %get3A_121 = vector.shape_cast %get3A_120 : vector<1x16xi32> to vector<16xi32>
    %ge3A_122 = arith.constant 51200 : i32
    %ge3A_123 = vector.broadcast %ge3A_122 : i32 to vector<16xi32>
    %ge3A_124 = arith.cmpi sge, %get3A_121, %ge3A_123 : vector<16xi32>
    %sub3A_125 = arith.constant 51200 : i32
    %sub3A_126 = vector.broadcast %sub3A_125 : i32 to vector<16xi32>
    %sub3A_127 = arith.subi %get3A_121, %sub3A_126 : vector<16xi32>
    %select_n3A_128 = arith.select %ge3A_124, %sub3A_127, %get3A_121 : vector<16xi1>, vector<16xi32>
    %swap3A_129 = arith.constant 0 : i32
    %swap3A_130 = arith.index_cast %swap3A_129 : i32 to index
    %swap3A_131 = arith.constant 96 : index
    %swap3A_132 = tpu.vector_load %arg5[%swap3A_130, %swap3A_131] {strides = array<i32>} : memref<4x128xi32, #tpu.memory_space<vmem>>, vector<1x16xi32>,
    %swap3A_133 = vector.shape_cast %swap3A_132 : vector<1x16xi32> to vector<16xi32>
    %swap3A_134 = vector.shape_cast %select_n3A_128 : vector<16xi32> to vector<1x16xi32>
    tpu.vector_store %arg5[%swap3A_130, %swap3A_131], %swap3A_134 {strides = array<i32>} : memref<4x128xi32, #tpu.memory_space<vmem>>, vector<1x16xi32>,
    %get3A_135 = arith.constant 0 : i32
    %get3A_136 = arith.index_cast %get3A_135 : i32 to index
    %get3A_137 = arith.constant 112 : index
    %get3A_138 = tpu.vector_load %arg5[%get3A_136, %get3A_137] {strides = array<i32>} : memref<4x128xi32, #tpu.memory_space<vmem>>, vector<1x16xi32>,
    %get3A_139 = vector.shape_cast %get3A_138 : vector<1x16xi32> to vector<16xi32>
    %ge3A_140 = arith.constant 51200 : i32
    %ge3A_141 = vector.broadcast %ge3A_140 : i32 to vector<16xi32>
    %ge3A_142 = arith.cmpi sge, %get3A_139, %ge3A_141 : vector<16xi32>
    %sub3A_143 = arith.constant 51200 : i32
    %sub3A_144 = vector.broadcast %sub3A_143 : i32 to vector<16xi32>
    %sub3A_145 = arith.subi %get3A_139, %sub3A_144 : vector<16xi32>
    %select_n3A_146 = arith.select %ge3A_142, %sub3A_145, %get3A_139 : vector<16xi1>, vector<16xi32>
    %swap3A_147 = arith.constant 0 : i32
    %swap3A_148 = arith.index_cast %swap3A_147 : i32 to index
    %swap3A_149 = arith.constant 112 : index
    %swap3A_150 = tpu.vector_load %arg5[%swap3A_148, %swap3A_149] {strides = array<i32>} : memref<4x128xi32, #tpu.memory_space<vmem>>, vector<1x16xi32>,
    %swap3A_151 = vector.shape_cast %swap3A_150 : vector<1x16xi32> to vector<16xi32>
    %swap3A_152 = vector.shape_cast %select_n3A_146 : vector<16xi32> to vector<1x16xi32>
    tpu.vector_store %arg5[%swap3A_148, %swap3A_149], %swap3A_152 {strides = array<i32>} : memref<4x128xi32, #tpu.memory_space<vmem>>, vector<1x16xi32>,
    %get3A_153 = arith.constant 1 : i32
    %get3A_154 = arith.index_cast %get3A_153 : i32 to index
    %get3A_155 = arith.constant 0 : index
    %get3A_156 = tpu.vector_load %arg5[%get3A_154, %get3A_155] {strides = array<i32>} : memref<4x128xi32, #tpu.memory_space<vmem>>, vector<1x16xi32>,
    %get3A_157 = vector.shape_cast %get3A_156 : vector<1x16xi32> to vector<16xi32>
    %ge3A_158 = arith.constant 51200 : i32
    %ge3A_159 = vector.broadcast %ge3A_158 : i32 to vector<16xi32>
    %ge3A_160 = arith.cmpi sge, %get3A_157, %ge3A_159 : vector<16xi32>
    %sub3A_161 = arith.constant 51200 : i32
    %sub3A_162 = vector.broadcast %sub3A_161 : i32 to vector<16xi32>
    %sub3A_163 = arith.subi %get3A_157, %sub3A_162 : vector<16xi32>
    %select_n3A_164 = arith.select %ge3A_160, %sub3A_163, %get3A_157 : vector<16xi1>, vector<16xi32>
    %swap3A_165 = arith.constant 1 : i32
    %swap3A_166 = arith.index_cast %swap3A_165 : i32 to index
    %swap3A_167 = arith.constant 0 : index
    %swap3A_168 = tpu.vector_load %arg5[%swap3A_166, %swap3A_167] {strides = array<i32>} : memref<4x128xi32, #tpu.memory_space<vmem>>, vector<1x16xi32>,
    %swap3A_169 = vector.shape_cast %swap3A_168 : vector<1x16xi32> to vector<16xi32>
    %swap3A_170 = vector.shape_cast %select_n3A_164 : vector<16xi32> to vector<1x16xi32>
    tpu.vector_store %arg5[%swap3A_166, %swap3A_167], %swap3A_170 {strides = array<i32>} : memref<4x128xi32, #tpu.memory_space<vmem>>, vector<1x16xi32>,
    %get3A_171 = arith.constant 1 : i32
    %get3A_172 = arith.index_cast %get3A_171 : i32 to index
    %get3A_173 = arith.constant 16 : index
    %get3A_174 = tpu.vector_load %arg5[%get3A_172, %get3A_173] {strides = array<i32>} : memref<4x128xi32, #tpu.memory_space<vmem>>, vector<1x16xi32>,
    %get3A_175 = vector.shape_cast %get3A_174 : vector<1x16xi32> to vector<16xi32>
    %ge3A_176 = arith.constant 51200 : i32
    %ge3A_177 = vector.broadcast %ge3A_176 : i32 to vector<16xi32>
    %ge3A_178 = arith.cmpi sge, %get3A_175, %ge3A_177 : vector<16xi32>
    %sub3A_179 = arith.constant 51200 : i32
    %sub3A_180 = vector.broadcast %sub3A_179 : i32 to vector<16xi32>
    %sub3A_181 = arith.subi %get3A_175, %sub3A_180 : vector<16xi32>
    %select_n3A_182 = arith.select %ge3A_178, %sub3A_181, %get3A_175 : vector<16xi1>, vector<16xi32>
    %swap3A_183 = arith.constant 1 : i32
    %swap3A_184 = arith.index_cast %swap3A_183 : i32 to index
    %swap3A_185 = arith.constant 16 : index
    %swap3A_186 = tpu.vector_load %arg5[%swap3A_184, %swap3A_185] {strides = array<i32>} : memref<4x128xi32, #tpu.memory_space<vmem>>, vector<1x16xi32>,
    %swap3A_187 = vector.shape_cast %swap3A_186 : vector<1x16xi32> to vector<16xi32>
    %swap3A_188 = vector.shape_cast %select_n3A_182 : vector<16xi32> to vector<1x16xi32>
    tpu.vector_store %arg5[%swap3A_184, %swap3A_185], %swap3A_188 {strides = array<i32>} : memref<4x128xi32, #tpu.memory_space<vmem>>, vector<1x16xi32>,
    %get3A_189 = arith.constant 1 : i32
    %get3A_190 = arith.index_cast %get3A_189 : i32 to index
    %get3A_191 = arith.constant 32 : index
    %get3A_192 = tpu.vector_load %arg5[%get3A_190, %get3A_191] {strides = array<i32>} : memref<4x128xi32, #tpu.memory_space<vmem>>, vector<1x16xi32>,
    %get3A_193 = vector.shape_cast %get3A_192 : vector<1x16xi32> to vector<16xi32>
    %ge3A_194 = arith.constant 51200 : i32
    %ge3A_195 = vector.broadcast %ge3A_194 : i32 to vector<16xi32>
    %ge3A_196 = arith.cmpi sge, %get3A_193, %ge3A_195 : vector<16xi32>
    %sub3A_197 = arith.constant 51200 : i32
    %sub3A_198 = vector.broadcast %sub3A_197 : i32 to vector<16xi32>
    %sub3A_199 = arith.subi %get3A_193, %sub3A_198 : vector<16xi32>
    %select_n3A_200 = arith.select %ge3A_196, %sub3A_199, %get3A_193 : vector<16xi1>, vector<16xi32>
    %swap3A_201 = arith.constant 1 : i32
    %swap3A_202 = arith.index_cast %swap3A_201 : i32 to index
    %swap3A_203 = arith.constant 32 : index
    %swap3A_204 = tpu.vector_load %arg5[%swap3A_202, %swap3A_203] {strides = array<i32>} : memref<4x128xi32, #tpu.memory_space<vmem>>, vector<1x16xi32>,
    %swap3A_205 = vector.shape_cast %swap3A_204 : vector<1x16xi32> to vector<16xi32>
    %swap3A_206 = vector.shape_cast %select_n3A_200 : vector<16xi32> to vector<1x16xi32>
    tpu.vector_store %arg5[%swap3A_202, %swap3A_203], %swap3A_206 {strides = array<i32>} : memref<4x128xi32, #tpu.memory_space<vmem>>, vector<1x16xi32>,
    %get3A_207 = arith.constant 1 : i32
    %get3A_208 = arith.index_cast %get3A_207 : i32 to index
    %get3A_209 = arith.constant 48 : index
    %get3A_210 = tpu.vector_load %arg5[%get3A_208, %get3A_209] {strides = array<i32>} : memref<4x128xi32, #tpu.memory_space<vmem>>, vector<1x16xi32>,
    %get3A_211 = vector.shape_cast %get3A_210 : vector<1x16xi32> to vector<16xi32>
    %ge3A_212 = arith.constant 51200 : i32
    %ge3A_213 = vector.broadcast %ge3A_212 : i32 to vector<16xi32>
    %ge3A_214 = arith.cmpi sge, %get3A_211, %ge3A_213 : vector<16xi32>
    %sub3A_215 = arith.constant 51200 : i32
    %sub3A_216 = vector.broadcast %sub3A_215 : i32 to vector<16xi32>
    %sub3A_217 = arith.subi %get3A_211, %sub3A_216 : vector<16xi32>
    %select_n3A_218 = arith.select %ge3A_214, %sub3A_217, %get3A_211 : vector<16xi1>, vector<16xi32>
    %swap3A_219 = arith.constant 1 : i32
    %swap3A_220 = arith.index_cast %swap3A_219 : i32 to index
    %swap3A_221 = arith.constant 48 : index
    %swap3A_222 = tpu.vector_load %arg5[%swap3A_220, %swap3A_221] {strides = array<i32>} : memref<4x128xi32, #tpu.memory_space<vmem>>, vector<1x16xi32>,
    %swap3A_223 = vector.shape_cast %swap3A_222 : vector<1x16xi32> to vector<16xi32>
    %swap3A_224 = vector.shape_cast %select_n3A_218 : vector<16xi32> to vector<1x16xi32>
    tpu.vector_store %arg5[%swap3A_220, %swap3A_221], %swap3A_224 {strides = array<i32>} : memref<4x128xi32, #tpu.memory_space<vmem>>, vector<1x16xi32>,
    %get3A_225 = arith.constant 1 : i32
    %get3A_226 = arith.index_cast %get3A_225 : i32 to index
    %get3A_227 = arith.constant 64 : index
    %get3A_228 = tpu.vector_load %arg5[%get3A_226, %get3A_227] {strides = array<i32>} : memref<4x128xi32, #tpu.memory_space<vmem>>, vector<1x16xi32>,
    %get3A_229 = vector.shape_cast %get3A_228 : vector<1x16xi32> to vector<16xi32>
    %ge3A_230 = arith.constant 51200 : i32
    %ge3A_231 = vector.broadcast %ge3A_230 : i32 to vector<16xi32>
    %ge3A_232 = arith.cmpi sge, %get3A_229, %ge3A_231 : vector<16xi32>
    %sub3A_233 = arith.constant 51200 : i32
    %sub3A_234 = vector.broadcast %sub3A_233 : i32 to vector<16xi32>
    %sub3A_235 = arith.subi %get3A_229, %sub3A_234 : vector<16xi32>
    %select_n3A_236 = arith.select %ge3A_232, %sub3A_235, %get3A_229 : vector<16xi1>, vector<16xi32>
    %swap3A_237 = arith.constant 1 : i32
    %swap3A_238 = arith.index_cast %swap3A_237 : i32 to index
    %swap3A_239 = arith.constant 64 : index
    %swap3A_240 = tpu.vector_load %arg5[%swap3A_238, %swap3A_239] {strides = array<i32>} : memref<4x128xi32, #tpu.memory_space<vmem>>, vector<1x16xi32>,
    %swap3A_241 = vector.shape_cast %swap3A_240 : vector<1x16xi32> to vector<16xi32>
    %swap3A_242 = vector.shape_cast %select_n3A_236 : vector<16xi32> to vector<1x16xi32>
    tpu.vector_store %arg5[%swap3A_238, %swap3A_239], %swap3A_242 {strides = array<i32>} : memref<4x128xi32, #tpu.memory_space<vmem>>, vector<1x16xi32>,
    %get3A_243 = arith.constant 1 : i32
    %get3A_244 = arith.index_cast %get3A_243 : i32 to index
    %get3A_245 = arith.constant 80 : index
    %get3A_246 = tpu.vector_load %arg5[%get3A_244, %get3A_245] {strides = array<i32>} : memref<4x128xi32, #tpu.memory_space<vmem>>, vector<1x16xi32>,
    %get3A_247 = vector.shape_cast %get3A_246 : vector<1x16xi32> to vector<16xi32>
    %ge3A_248 = arith.constant 51200 : i32
    %ge3A_249 = vector.broadcast %ge3A_248 : i32 to vector<16xi32>
    %ge3A_250 = arith.cmpi sge, %get3A_247, %ge3A_249 : vector<16xi32>
    %sub3A_251 = arith.constant 51200 : i32
    %sub3A_252 = vector.broadcast %sub3A_251 : i32 to vector<16xi32>
    %sub3A_253 = arith.subi %get3A_247, %sub3A_252 : vector<16xi32>
    %select_n3A_254 = arith.select %ge3A_250, %sub3A_253, %get3A_247 : vector<16xi1>, vector<16xi32>
    %swap3A_255 = arith.constant 1 : i32
    %swap3A_256 = arith.index_cast %swap3A_255 : i32 to index
    %swap3A_257 = arith.constant 80 : index
    %swap3A_258 = tpu.vector_load %arg5[%swap3A_256, %swap3A_257] {strides = array<i32>} : memref<4x128xi32, #tpu.memory_space<vmem>>, vector<1x16xi32>,
    %swap3A_259 = vector.shape_cast %swap3A_258 : vector<1x16xi32> to vector<16xi32>
    %swap3A_260 = vector.shape_cast %select_n3A_254 : vector<16xi32> to vector<1x16xi32>
    tpu.vector_store %arg5[%swap3A_256, %swap3A_257], %swap3A_260 {strides = array<i32>} : memref<4x128xi32, #tpu.memory_space<vmem>>, vector<1x16xi32>,
    %get3A_261 = arith.constant 1 : i32
    %get3A_262 = arith.index_cast %get3A_261 : i32 to index
    %get3A_263 = arith.constant 96 : index
    %get3A_264 = tpu.vector_load %arg5[%get3A_262, %get3A_263] {strides = array<i32>} : memref<4x128xi32, #tpu.memory_space<vmem>>, vector<1x16xi32>,
    %get3A_265 = vector.shape_cast %get3A_264 : vector<1x16xi32> to vector<16xi32>
    %ge3A_266 = arith.constant 51200 : i32
    %ge3A_267 = vector.broadcast %ge3A_266 : i32 to vector<16xi32>
    %ge3A_268 = arith.cmpi sge, %get3A_265, %ge3A_267 : vector<16xi32>
    %sub3A_269 = arith.constant 51200 : i32
    %sub3A_270 = vector.broadcast %sub3A_269 : i32 to vector<16xi32>
    %sub3A_271 = arith.subi %get3A_265, %sub3A_270 : vector<16xi32>
    %select_n3A_272 = arith.select %ge3A_268, %sub3A_271, %get3A_265 : vector<16xi1>, vector<16xi32>
    %swap3A_273 = arith.constant 1 : i32
    %swap3A_274 = arith.index_cast %swap3A_273 : i32 to index
    %swap3A_275 = arith.constant 96 : index
    %swap3A_276 = tpu.vector_load %arg5[%swap3A_274, %swap3A_275] {strides = array<i32>} : memref<4x128xi32, #tpu.memory_space<vmem>>, vector<1x16xi32>,
    %swap3A_277 = vector.shape_cast %swap3A_276 : vector<1x16xi32> to vector<16xi32>
    %swap3A_278 = vector.shape_cast %select_n3A_272 : vector<16xi32> to vector<1x16xi32>
    tpu.vector_store %arg5[%swap3A_274, %swap3A_275], %swap3A_278 {strides = array<i32>} : memref<4x128xi32, #tpu.memory_space<vmem>>, vector<1x16xi32>,
    %get3A_279 = arith.constant 1 : i32
    %get3A_280 = arith.index_cast %get3A_279 : i32 to index
    %get3A_281 = arith.constant 112 : index
    %get3A_282 = tpu.vector_load %arg5[%get3A_280, %get3A_281] {strides = array<i32>} : memref<4x128xi32, #tpu.memory_space<vmem>>, vector<1x16xi32>,
    %get3A_283 = vector.shape_cast %get3A_282 : vector<1x16xi32> to vector<16xi32>
    %ge3A_284 = arith.constant 51200 : i32
    %ge3A_285 = vector.broadcast %ge3A_284 : i32 to vector<16xi32>
    %ge3A_286 = arith.cmpi sge, %get3A_283, %ge3A_285 : vector<16xi32>
    %sub3A_287 = arith.constant 51200 : i32
    %sub3A_288 = vector.broadcast %sub3A_287 : i32 to vector<16xi32>
    %sub3A_289 = arith.subi %get3A_283, %sub3A_288 : vector<16xi32>
    %select_n3A_290 = arith.select %ge3A_286, %sub3A_289, %get3A_283 : vector<16xi1>, vector<16xi32>
    %swap3A_291 = arith.constant 1 : i32
    %swap3A_292 = arith.index_cast %swap3A_291 : i32 to index
    %swap3A_293 = arith.constant 112 : index
    %swap3A_294 = tpu.vector_load %arg5[%swap3A_292, %swap3A_293] {strides = array<i32>} : memref<4x128xi32, #tpu.memory_space<vmem>>, vector<1x16xi32>,
    %swap3A_295 = vector.shape_cast %swap3A_294 : vector<1x16xi32> to vector<16xi32>
    %swap3A_296 = vector.shape_cast %select_n3A_290 : vector<16xi32> to vector<1x16xi32>
    tpu.vector_store %arg5[%swap3A_292, %swap3A_293], %swap3A_296 {strides = array<i32>} : memref<4x128xi32, #tpu.memory_space<vmem>>, vector<1x16xi32>,
    %get3A_297 = arith.constant 2 : i32
    %get3A_298 = arith.index_cast %get3A_297 : i32 to index
    %get3A_299 = arith.constant 0 : index
    %get3A_300 = tpu.vector_load %arg5[%get3A_298, %get3A_299] {strides = array<i32>} : memref<4x128xi32, #tpu.memory_space<vmem>>, vector<1x16xi32>,
    %get3A_301 = vector.shape_cast %get3A_300 : vector<1x16xi32> to vector<16xi32>
    %ge3A_302 = arith.constant 51200 : i32
    %ge3A_303 = vector.broadcast %ge3A_302 : i32 to vector<16xi32>
    %ge3A_304 = arith.cmpi sge, %get3A_301, %ge3A_303 : vector<16xi32>
    %sub3A_305 = arith.constant 51200 : i32
    %sub3A_306 = vector.broadcast %sub3A_305 : i32 to vector<16xi32>
    %sub3A_307 = arith.subi %get3A_301, %sub3A_306 : vector<16xi32>
    %select_n3A_308 = arith.select %ge3A_304, %sub3A_307, %get3A_301 : vector<16xi1>, vector<16xi32>
    %swap3A_309 = arith.constant 2 : i32
    %swap3A_310 = arith.index_cast %swap3A_309 : i32 to index
    %swap3A_311 = arith.constant 0 : index
    %swap3A_312 = tpu.vector_load %arg5[%swap3A_310, %swap3A_311] {strides = array<i32>} : memref<4x128xi32, #tpu.memory_space<vmem>>, vector<1x16xi32>,
    %swap3A_313 = vector.shape_cast %swap3A_312 : vector<1x16xi32> to vector<16xi32>
    %swap3A_314 = vector.shape_cast %select_n3A_308 : vector<16xi32> to vector<1x16xi32>
    tpu.vector_store %arg5[%swap3A_310, %swap3A_311], %swap3A_314 {strides = array<i32>} : memref<4x128xi32, #tpu.memory_space<vmem>>, vector<1x16xi32>,
    %get3A_315 = arith.constant 2 : i32
    %get3A_316 = arith.index_cast %get3A_315 : i32 to index
    %get3A_317 = arith.constant 16 : index
    %get3A_318 = tpu.vector_load %arg5[%get3A_316, %get3A_317] {strides = array<i32>} : memref<4x128xi32, #tpu.memory_space<vmem>>, vector<1x16xi32>,
    %get3A_319 = vector.shape_cast %get3A_318 : vector<1x16xi32> to vector<16xi32>
    %ge3A_320 = arith.constant 51200 : i32
    %ge3A_321 = vector.broadcast %ge3A_320 : i32 to vector<16xi32>
    %ge3A_322 = arith.cmpi sge, %get3A_319, %ge3A_321 : vector<16xi32>
    %sub3A_323 = arith.constant 51200 : i32
    %sub3A_324 = vector.broadcast %sub3A_323 : i32 to vector<16xi32>
    %sub3A_325 = arith.subi %get3A_319, %sub3A_324 : vector<16xi32>
    %select_n3A_326 = arith.select %ge3A_322, %sub3A_325, %get3A_319 : vector<16xi1>, vector<16xi32>
    %swap3A_327 = arith.constant 2 : i32
    %swap3A_328 = arith.index_cast %swap3A_327 : i32 to index
    %swap3A_329 = arith.constant 16 : index
    %swap3A_330 = tpu.vector_load %arg5[%swap3A_328, %swap3A_329] {strides = array<i32>} : memref<4x128xi32, #tpu.memory_space<vmem>>, vector<1x16xi32>,
    %swap3A_331 = vector.shape_cast %swap3A_330 : vector<1x16xi32> to vector<16xi32>
    %swap3A_332 = vector.shape_cast %select_n3A_326 : vector<16xi32> to vector<1x16xi32>
    tpu.vector_store %arg5[%swap3A_328, %swap3A_329], %swap3A_332 {strides = array<i32>} : memref<4x128xi32, #tpu.memory_space<vmem>>, vector<1x16xi32>,
    %get3A_333 = arith.constant 2 : i32
    %get3A_334 = arith.index_cast %get3A_333 : i32 to index
    %get3A_335 = arith.constant 32 : index
    %get3A_336 = tpu.vector_load %arg5[%get3A_334, %get3A_335] {strides = array<i32>} : memref<4x128xi32, #tpu.memory_space<vmem>>, vector<1x16xi32>,
    %get3A_337 = vector.shape_cast %get3A_336 : vector<1x16xi32> to vector<16xi32>
    %ge3A_338 = arith.constant 51200 : i32
    %ge3A_339 = vector.broadcast %ge3A_338 : i32 to vector<16xi32>
    %ge3A_340 = arith.cmpi sge, %get3A_337, %ge3A_339 : vector<16xi32>
    %sub3A_341 = arith.constant 51200 : i32
    %sub3A_342 = vector.broadcast %sub3A_341 : i32 to vector<16xi32>
    %sub3A_343 = arith.subi %get3A_337, %sub3A_342 : vector<16xi32>
    %select_n3A_344 = arith.select %ge3A_340, %sub3A_343, %get3A_337 : vector<16xi1>, vector<16xi32>
    %swap3A_345 = arith.constant 2 : i32
    %swap3A_346 = arith.index_cast %swap3A_345 : i32 to index
    %swap3A_347 = arith.constant 32 : index
    %swap3A_348 = tpu.vector_load %arg5[%swap3A_346, %swap3A_347] {strides = array<i32>} : memref<4x128xi32, #tpu.memory_space<vmem>>, vector<1x16xi32>,
    %swap3A_349 = vector.shape_cast %swap3A_348 : vector<1x16xi32> to vector<16xi32>
    %swap3A_350 = vector.shape_cast %select_n3A_344 : vector<16xi32> to vector<1x16xi32>
    tpu.vector_store %arg5[%swap3A_346, %swap3A_347], %swap3A_350 {strides = array<i32>} : memref<4x128xi32, #tpu.memory_space<vmem>>, vector<1x16xi32>,
    %get3A_351 = arith.constant 2 : i32
    %get3A_352 = arith.index_cast %get3A_351 : i32 to index
    %get3A_353 = arith.constant 48 : index
    %get3A_354 = tpu.vector_load %arg5[%get3A_352, %get3A_353] {strides = array<i32>} : memref<4x128xi32, #tpu.memory_space<vmem>>, vector<1x16xi32>,
    %get3A_355 = vector.shape_cast %get3A_354 : vector<1x16xi32> to vector<16xi32>
    %ge3A_356 = arith.constant 51200 : i32
    %ge3A_357 = vector.broadcast %ge3A_356 : i32 to vector<16xi32>
    %ge3A_358 = arith.cmpi sge, %get3A_355, %ge3A_357 : vector<16xi32>
    %sub3A_359 = arith.constant 51200 : i32
    %sub3A_360 = vector.broadcast %sub3A_359 : i32 to vector<16xi32>
    %sub3A_361 = arith.subi %get3A_355, %sub3A_360 : vector<16xi32>
    %select_n3A_362 = arith.select %ge3A_358, %sub3A_361, %get3A_355 : vector<16xi1>, vector<16xi32>
    %swap3A_363 = arith.constant 2 : i32
    %swap3A_364 = arith.index_cast %swap3A_363 : i32 to index
    %swap3A_365 = arith.constant 48 : index
    %swap3A_366 = tpu.vector_load %arg5[%swap3A_364, %swap3A_365] {strides = array<i32>} : memref<4x128xi32, #tpu.memory_space<vmem>>, vector<1x16xi32>,
    %swap3A_367 = vector.shape_cast %swap3A_366 : vector<1x16xi32> to vector<16xi32>
    %swap3A_368 = vector.shape_cast %select_n3A_362 : vector<16xi32> to vector<1x16xi32>
    tpu.vector_store %arg5[%swap3A_364, %swap3A_365], %swap3A_368 {strides = array<i32>} : memref<4x128xi32, #tpu.memory_space<vmem>>, vector<1x16xi32>,
    %get3A_369 = arith.constant 2 : i32
    %get3A_370 = arith.index_cast %get3A_369 : i32 to index
    %get3A_371 = arith.constant 64 : index
    %get3A_372 = tpu.vector_load %arg5[%get3A_370, %get3A_371] {strides = array<i32>} : memref<4x128xi32, #tpu.memory_space<vmem>>, vector<1x16xi32>,
    %get3A_373 = vector.shape_cast %get3A_372 : vector<1x16xi32> to vector<16xi32>
    %ge3A_374 = arith.constant 51200 : i32
    %ge3A_375 = vector.broadcast %ge3A_374 : i32 to vector<16xi32>
    %ge3A_376 = arith.cmpi sge, %get3A_373, %ge3A_375 : vector<16xi32>
    %sub3A_377 = arith.constant 51200 : i32
    %sub3A_378 = vector.broadcast %sub3A_377 : i32 to vector<16xi32>
    %sub3A_379 = arith.subi %get3A_373, %sub3A_378 : vector<16xi32>
    %select_n3A_380 = arith.select %ge3A_376, %sub3A_379, %get3A_373 : vector<16xi1>, vector<16xi32>
    %swap3A_381 = arith.constant 2 : i32
    %swap3A_382 = arith.index_cast %swap3A_381 : i32 to index
    %swap3A_383 = arith.constant 64 : index
    %swap3A_384 = tpu.vector_load %arg5[%swap3A_382, %swap3A_383] {strides = array<i32>} : memref<4x128xi32, #tpu.memory_space<vmem>>, vector<1x16xi32>,
    %swap3A_385 = vector.shape_cast %swap3A_384 : vector<1x16xi32> to vector<16xi32>
    %swap3A_386 = vector.shape_cast %select_n3A_380 : vector<16xi32> to vector<1x16xi32>
    tpu.vector_store %arg5[%swap3A_382, %swap3A_383], %swap3A_386 {strides = array<i32>} : memref<4x128xi32, #tpu.memory_space<vmem>>, vector<1x16xi32>,
    %get3A_387 = arith.constant 2 : i32
    %get3A_388 = arith.index_cast %get3A_387 : i32 to index
    %get3A_389 = arith.constant 80 : index
    %get3A_390 = tpu.vector_load %arg5[%get3A_388, %get3A_389] {strides = array<i32>} : memref<4x128xi32, #tpu.memory_space<vmem>>, vector<1x16xi32>,
    %get3A_391 = vector.shape_cast %get3A_390 : vector<1x16xi32> to vector<16xi32>
    %ge3A_392 = arith.constant 51200 : i32
    %ge3A_393 = vector.broadcast %ge3A_392 : i32 to vector<16xi32>
    %ge3A_394 = arith.cmpi sge, %get3A_391, %ge3A_393 : vector<16xi32>
    %sub3A_395 = arith.constant 51200 : i32
    %sub3A_396 = vector.broadcast %sub3A_395 : i32 to vector<16xi32>
    %sub3A_397 = arith.subi %get3A_391, %sub3A_396 : vector<16xi32>
    %select_n3A_398 = arith.select %ge3A_394, %sub3A_397, %get3A_391 : vector<16xi1>, vector<16xi32>
    %swap3A_399 = arith.constant 2 : i32
    %swap3A_400 = arith.index_cast %swap3A_399 : i32 to index
    %swap3A_401 = arith.constant 80 : index
    %swap3A_402 = tpu.vector_load %arg5[%swap3A_400, %swap3A_401] {strides = array<i32>} : memref<4x128xi32, #tpu.memory_space<vmem>>, vector<1x16xi32>,
    %swap3A_403 = vector.shape_cast %swap3A_402 : vector<1x16xi32> to vector<16xi32>
    %swap3A_404 = vector.shape_cast %select_n3A_398 : vector<16xi32> to vector<1x16xi32>
    tpu.vector_store %arg5[%swap3A_400, %swap3A_401], %swap3A_404 {strides = array<i32>} : memref<4x128xi32, #tpu.memory_space<vmem>>, vector<1x16xi32>,
    %get3A_405 = arith.constant 2 : i32
    %get3A_406 = arith.index_cast %get3A_405 : i32 to index
    %get3A_407 = arith.constant 96 : index
    %get3A_408 = tpu.vector_load %arg5[%get3A_406, %get3A_407] {strides = array<i32>} : memref<4x128xi32, #tpu.memory_space<vmem>>, vector<1x16xi32>,
    %get3A_409 = vector.shape_cast %get3A_408 : vector<1x16xi32> to vector<16xi32>
    %ge3A_410 = arith.constant 51200 : i32
    %ge3A_411 = vector.broadcast %ge3A_410 : i32 to vector<16xi32>
    %ge3A_412 = arith.cmpi sge, %get3A_409, %ge3A_411 : vector<16xi32>
    %sub3A_413 = arith.constant 51200 : i32
    %sub3A_414 = vector.broadcast %sub3A_413 : i32 to vector<16xi32>
    %sub3A_415 = arith.subi %get3A_409, %sub3A_414 : vector<16xi32>
    %select_n3A_416 = arith.select %ge3A_412, %sub3A_415, %get3A_409 : vector<16xi1>, vector<16xi32>
    %swap3A_417 = arith.constant 2 : i32
    %swap3A_418 = arith.index_cast %swap3A_417 : i32 to index
    %swap3A_419 = arith.constant 96 : index
    %swap3A_420 = tpu.vector_load %arg5[%swap3A_418, %swap3A_419] {strides = array<i32>} : memref<4x128xi32, #tpu.memory_space<vmem>>, vector<1x16xi32>,
    %swap3A_421 = vector.shape_cast %swap3A_420 : vector<1x16xi32> to vector<16xi32>
    %swap3A_422 = vector.shape_cast %select_n3A_416 : vector<16xi32> to vector<1x16xi32>
    tpu.vector_store %arg5[%swap3A_418, %swap3A_419], %swap3A_422 {strides = array<i32>} : memref<4x128xi32, #tpu.memory_space<vmem>>, vector<1x16xi32>,
    %get3A_423 = arith.constant 2 : i32
    %get3A_424 = arith.index_cast %get3A_423 : i32 to index
    %get3A_425 = arith.constant 112 : index
    %get3A_426 = tpu.vector_load %arg5[%get3A_424, %get3A_425] {strides = array<i32>} : memref<4x128xi32, #tpu.memory_space<vmem>>, vector<1x16xi32>,
    %get3A_427 = vector.shape_cast %get3A_426 : vector<1x16xi32> to vector<16xi32>
    %ge3A_428 = arith.constant 51200 : i32
    %ge3A_429 = vector.broadcast %ge3A_428 : i32 to vector<16xi32>
    %ge3A_430 = arith.cmpi sge, %get3A_427, %ge3A_429 : vector<16xi32>
    %sub3A_431 = arith.constant 51200 : i32
    %sub3A_432 = vector.broadcast %sub3A_431 : i32 to vector<16xi32>
    %sub3A_433 = arith.subi %get3A_427, %sub3A_432 : vector<16xi32>
    %select_n3A_434 = arith.select %ge3A_430, %sub3A_433, %get3A_427 : vector<16xi1>, vector<16xi32>
    %swap3A_435 = arith.constant 2 : i32
    %swap3A_436 = arith.index_cast %swap3A_435 : i32 to index
    %swap3A_437 = arith.constant 112 : index
    %swap3A_438 = tpu.vector_load %arg5[%swap3A_436, %swap3A_437] {strides = array<i32>} : memref<4x128xi32, #tpu.memory_space<vmem>>, vector<1x16xi32>,
    %swap3A_439 = vector.shape_cast %swap3A_438 : vector<1x16xi32> to vector<16xi32>
    %swap3A_440 = vector.shape_cast %select_n3A_434 : vector<16xi32> to vector<1x16xi32>
    tpu.vector_store %arg5[%swap3A_436, %swap3A_437], %swap3A_440 {strides = array<i32>} : memref<4x128xi32, #tpu.memory_space<vmem>>, vector<1x16xi32>,
    %get3A_441 = arith.constant 3 : i32
    %get3A_442 = arith.index_cast %get3A_441 : i32 to index
    %get3A_443 = arith.constant 0 : index
    %get3A_444 = tpu.vector_load %arg5[%get3A_442, %get3A_443] {strides = array<i32>} : memref<4x128xi32, #tpu.memory_space<vmem>>, vector<1x16xi32>,
    %get3A_445 = vector.shape_cast %get3A_444 : vector<1x16xi32> to vector<16xi32>
    %ge3A_446 = arith.constant 51200 : i32
    %ge3A_447 = vector.broadcast %ge3A_446 : i32 to vector<16xi32>
    %ge3A_448 = arith.cmpi sge, %get3A_445, %ge3A_447 : vector<16xi32>
    %sub3A_449 = arith.constant 51200 : i32
    %sub3A_450 = vector.broadcast %sub3A_449 : i32 to vector<16xi32>
    %sub3A_451 = arith.subi %get3A_445, %sub3A_450 : vector<16xi32>
    %select_n3A_452 = arith.select %ge3A_448, %sub3A_451, %get3A_445 : vector<16xi1>, vector<16xi32>
    %swap3A_453 = arith.constant 3 : i32
    %swap3A_454 = arith.index_cast %swap3A_453 : i32 to index
    %swap3A_455 = arith.constant 0 : index
    %swap3A_456 = tpu.vector_load %arg5[%swap3A_454, %swap3A_455] {strides = array<i32>} : memref<4x128xi32, #tpu.memory_space<vmem>>, vector<1x16xi32>,
    %swap3A_457 = vector.shape_cast %swap3A_456 : vector<1x16xi32> to vector<16xi32>
    %swap3A_458 = vector.shape_cast %select_n3A_452 : vector<16xi32> to vector<1x16xi32>
    tpu.vector_store %arg5[%swap3A_454, %swap3A_455], %swap3A_458 {strides = array<i32>} : memref<4x128xi32, #tpu.memory_space<vmem>>, vector<1x16xi32>,
    %get3A_459 = arith.constant 3 : i32
    %get3A_460 = arith.index_cast %get3A_459 : i32 to index
    %get3A_461 = arith.constant 16 : index
    %get3A_462 = tpu.vector_load %arg5[%get3A_460, %get3A_461] {strides = array<i32>} : memref<4x128xi32, #tpu.memory_space<vmem>>, vector<1x16xi32>,
    %get3A_463 = vector.shape_cast %get3A_462 : vector<1x16xi32> to vector<16xi32>
    %ge3A_464 = arith.constant 51200 : i32
    %ge3A_465 = vector.broadcast %ge3A_464 : i32 to vector<16xi32>
    %ge3A_466 = arith.cmpi sge, %get3A_463, %ge3A_465 : vector<16xi32>
    %sub3A_467 = arith.constant 51200 : i32
    %sub3A_468 = vector.broadcast %sub3A_467 : i32 to vector<16xi32>
    %sub3A_469 = arith.subi %get3A_463, %sub3A_468 : vector<16xi32>
    %select_n3A_470 = arith.select %ge3A_466, %sub3A_469, %get3A_463 : vector<16xi1>, vector<16xi32>
    %swap3A_471 = arith.constant 3 : i32
    %swap3A_472 = arith.index_cast %swap3A_471 : i32 to index
    %swap3A_473 = arith.constant 16 : index
    %swap3A_474 = tpu.vector_load %arg5[%swap3A_472, %swap3A_473] {strides = array<i32>} : memref<4x128xi32, #tpu.memory_space<vmem>>, vector<1x16xi32>,
    %swap3A_475 = vector.shape_cast %swap3A_474 : vector<1x16xi32> to vector<16xi32>
    %swap3A_476 = vector.shape_cast %select_n3A_470 : vector<16xi32> to vector<1x16xi32>
    tpu.vector_store %arg5[%swap3A_472, %swap3A_473], %swap3A_476 {strides = array<i32>} : memref<4x128xi32, #tpu.memory_space<vmem>>, vector<1x16xi32>,
    %get3A_477 = arith.constant 3 : i32
    %get3A_478 = arith.index_cast %get3A_477 : i32 to index
    %get3A_479 = arith.constant 32 : index
    %get3A_480 = tpu.vector_load %arg5[%get3A_478, %get3A_479] {strides = array<i32>} : memref<4x128xi32, #tpu.memory_space<vmem>>, vector<1x16xi32>,
    %get3A_481 = vector.shape_cast %get3A_480 : vector<1x16xi32> to vector<16xi32>
    %ge3A_482 = arith.constant 51200 : i32
    %ge3A_483 = vector.broadcast %ge3A_482 : i32 to vector<16xi32>
    %ge3A_484 = arith.cmpi sge, %get3A_481, %ge3A_483 : vector<16xi32>
    %sub3A_485 = arith.constant 51200 : i32
    %sub3A_486 = vector.broadcast %sub3A_485 : i32 to vector<16xi32>
    %sub3A_487 = arith.subi %get3A_481, %sub3A_486 : vector<16xi32>
    %select_n3A_488 = arith.select %ge3A_484, %sub3A_487, %get3A_481 : vector<16xi1>, vector<16xi32>
    %swap3A_489 = arith.constant 3 : i32
    %swap3A_490 = arith.index_cast %swap3A_489 : i32 to index
    %swap3A_491 = arith.constant 32 : index
    %swap3A_492 = tpu.vector_load %arg5[%swap3A_490, %swap3A_491] {strides = array<i32>} : memref<4x128xi32, #tpu.memory_space<vmem>>, vector<1x16xi32>,
    %swap3A_493 = vector.shape_cast %swap3A_492 : vector<1x16xi32> to vector<16xi32>
    %swap3A_494 = vector.shape_cast %select_n3A_488 : vector<16xi32> to vector<1x16xi32>
    tpu.vector_store %arg5[%swap3A_490, %swap3A_491], %swap3A_494 {strides = array<i32>} : memref<4x128xi32, #tpu.memory_space<vmem>>, vector<1x16xi32>,
    %get3A_495 = arith.constant 3 : i32
    %get3A_496 = arith.index_cast %get3A_495 : i32 to index
    %get3A_497 = arith.constant 48 : index
    %get3A_498 = tpu.vector_load %arg5[%get3A_496, %get3A_497] {strides = array<i32>} : memref<4x128xi32, #tpu.memory_space<vmem>>, vector<1x16xi32>,
    %get3A_499 = vector.shape_cast %get3A_498 : vector<1x16xi32> to vector<16xi32>
    %ge3A_500 = arith.constant 51200 : i32
    %ge3A_501 = vector.broadcast %ge3A_500 : i32 to vector<16xi32>
    %ge3A_502 = arith.cmpi sge, %get3A_499, %ge3A_501 : vector<16xi32>
    %sub3A_503 = arith.constant 51200 : i32
    %sub3A_504 = vector.broadcast %sub3A_503 : i32 to vector<16xi32>
    %sub3A_505 = arith.subi %get3A_499, %sub3A_504 : vector<16xi32>
    %select_n3A_506 = arith.select %ge3A_502, %sub3A_505, %get3A_499 : vector<16xi1>, vector<16xi32>
    %swap3A_507 = arith.constant 3 : i32
    %swap3A_508 = arith.index_cast %swap3A_507 : i32 to index
    %swap3A_509 = arith.constant 48 : index
    %swap3A_510 = tpu.vector_load %arg5[%swap3A_508, %swap3A_509] {strides = array<i32>} : memref<4x128xi32, #tpu.memory_space<vmem>>, vector<1x16xi32>,
    %swap3A_511 = vector.shape_cast %swap3A_510 : vector<1x16xi32> to vector<16xi32>
    %swap3A_512 = vector.shape_cast %select_n3A_506 : vector<16xi32> to vector<1x16xi32>
    tpu.vector_store %arg5[%swap3A_508, %swap3A_509], %swap3A_512 {strides = array<i32>} : memref<4x128xi32, #tpu.memory_space<vmem>>, vector<1x16xi32>,
    %get3A_513 = arith.constant 3 : i32
    %get3A_514 = arith.index_cast %get3A_513 : i32 to index
    %get3A_515 = arith.constant 64 : index
    %get3A_516 = tpu.vector_load %arg5[%get3A_514, %get3A_515] {strides = array<i32>} : memref<4x128xi32, #tpu.memory_space<vmem>>, vector<1x16xi32>,
    %get3A_517 = vector.shape_cast %get3A_516 : vector<1x16xi32> to vector<16xi32>
    %ge3A_518 = arith.constant 51200 : i32
    %ge3A_519 = vector.broadcast %ge3A_518 : i32 to vector<16xi32>
    %ge3A_520 = arith.cmpi sge, %get3A_517, %ge3A_519 : vector<16xi32>
    %sub3A_521 = arith.constant 51200 : i32
    %sub3A_522 = vector.broadcast %sub3A_521 : i32 to vector<16xi32>
    %sub3A_523 = arith.subi %get3A_517, %sub3A_522 : vector<16xi32>
    %select_n3A_524 = arith.select %ge3A_520, %sub3A_523, %get3A_517 : vector<16xi1>, vector<16xi32>
    %swap3A_525 = arith.constant 3 : i32
    %swap3A_526 = arith.index_cast %swap3A_525 : i32 to index
    %swap3A_527 = arith.constant 64 : index
    %swap3A_528 = tpu.vector_load %arg5[%swap3A_526, %swap3A_527] {strides = array<i32>} : memref<4x128xi32, #tpu.memory_space<vmem>>, vector<1x16xi32>,
    %swap3A_529 = vector.shape_cast %swap3A_528 : vector<1x16xi32> to vector<16xi32>
    %swap3A_530 = vector.shape_cast %select_n3A_524 : vector<16xi32> to vector<1x16xi32>
    tpu.vector_store %arg5[%swap3A_526, %swap3A_527], %swap3A_530 {strides = array<i32>} : memref<4x128xi32, #tpu.memory_space<vmem>>, vector<1x16xi32>,
    %get3A_531 = arith.constant 3 : i32
    %get3A_532 = arith.index_cast %get3A_531 : i32 to index
    %get3A_533 = arith.constant 80 : index
    %get3A_534 = tpu.vector_load %arg5[%get3A_532, %get3A_533] {strides = array<i32>} : memref<4x128xi32, #tpu.memory_space<vmem>>, vector<1x16xi32>,
    %get3A_535 = vector.shape_cast %get3A_534 : vector<1x16xi32> to vector<16xi32>
    %ge3A_536 = arith.constant 51200 : i32
    %ge3A_537 = vector.broadcast %ge3A_536 : i32 to vector<16xi32>
    %ge3A_538 = arith.cmpi sge, %get3A_535, %ge3A_537 : vector<16xi32>
    %sub3A_539 = arith.constant 51200 : i32
    %sub3A_540 = vector.broadcast %sub3A_539 : i32 to vector<16xi32>
    %sub3A_541 = arith.subi %get3A_535, %sub3A_540 : vector<16xi32>
    %select_n3A_542 = arith.select %ge3A_538, %sub3A_541, %get3A_535 : vector<16xi1>, vector<16xi32>
    %swap3A_543 = arith.constant 3 : i32
    %swap3A_544 = arith.index_cast %swap3A_543 : i32 to index
    %swap3A_545 = arith.constant 80 : index
    %swap3A_546 = tpu.vector_load %arg5[%swap3A_544, %swap3A_545] {strides = array<i32>} : memref<4x128xi32, #tpu.memory_space<vmem>>, vector<1x16xi32>,
    %swap3A_547 = vector.shape_cast %swap3A_546 : vector<1x16xi32> to vector<16xi32>
    %swap3A_548 = vector.shape_cast %select_n3A_542 : vector<16xi32> to vector<1x16xi32>
    tpu.vector_store %arg5[%swap3A_544, %swap3A_545], %swap3A_548 {strides = array<i32>} : memref<4x128xi32, #tpu.memory_space<vmem>>, vector<1x16xi32>,
    %get3A_549 = arith.constant 3 : i32
    %get3A_550 = arith.index_cast %get3A_549 : i32 to index
    %get3A_551 = arith.constant 96 : index
    %get3A_552 = tpu.vector_load %arg5[%get3A_550, %get3A_551] {strides = array<i32>} : memref<4x128xi32, #tpu.memory_space<vmem>>, vector<1x16xi32>,
    %get3A_553 = vector.shape_cast %get3A_552 : vector<1x16xi32> to vector<16xi32>
    %ge3A_554 = arith.constant 51200 : i32
    %ge3A_555 = vector.broadcast %ge3A_554 : i32 to vector<16xi32>
    %ge3A_556 = arith.cmpi sge, %get3A_553, %ge3A_555 : vector<16xi32>
    %sub3A_557 = arith.constant 51200 : i32
    %sub3A_558 = vector.broadcast %sub3A_557 : i32 to vector<16xi32>
    %sub3A_559 = arith.subi %get3A_553, %sub3A_558 : vector<16xi32>
    %select_n3A_560 = arith.select %ge3A_556, %sub3A_559, %get3A_553 : vector<16xi1>, vector<16xi32>
    %swap3A_561 = arith.constant 3 : i32
    %swap3A_562 = arith.index_cast %swap3A_561 : i32 to index
    %swap3A_563 = arith.constant 96 : index
    %swap3A_564 = tpu.vector_load %arg5[%swap3A_562, %swap3A_563] {strides = array<i32>} : memref<4x128xi32, #tpu.memory_space<vmem>>, vector<1x16xi32>,
    %swap3A_565 = vector.shape_cast %swap3A_564 : vector<1x16xi32> to vector<16xi32>
    %swap3A_566 = vector.shape_cast %select_n3A_560 : vector<16xi32> to vector<1x16xi32>
    tpu.vector_store %arg5[%swap3A_562, %swap3A_563], %swap3A_566 {strides = array<i32>} : memref<4x128xi32, #tpu.memory_space<vmem>>, vector<1x16xi32>,
    %get3A_567 = arith.constant 3 : i32
    %get3A_568 = arith.index_cast %get3A_567 : i32 to index
    %get3A_569 = arith.constant 112 : index
    %get3A_570 = tpu.vector_load %arg5[%get3A_568, %get3A_569] {strides = array<i32>} : memref<4x128xi32, #tpu.memory_space<vmem>>, vector<1x16xi32>,
    %get3A_571 = vector.shape_cast %get3A_570 : vector<1x16xi32> to vector<16xi32>
    %ge3A_572 = arith.constant 51200 : i32
    %ge3A_573 = vector.broadcast %ge3A_572 : i32 to vector<16xi32>
    %ge3A_574 = arith.cmpi sge, %get3A_571, %ge3A_573 : vector<16xi32>
    %sub3A_575 = arith.constant 51200 : i32
    %sub3A_576 = vector.broadcast %sub3A_575 : i32 to vector<16xi32>
    %sub3A_577 = arith.subi %get3A_571, %sub3A_576 : vector<16xi32>
    %select_n3A_578 = arith.select %ge3A_574, %sub3A_577, %get3A_571 : vector<16xi1>, vector<16xi32>
    %swap3A_579 = arith.constant 3 : i32
    %swap3A_580 = arith.index_cast %swap3A_579 : i32 to index
    %swap3A_581 = arith.constant 112 : index
    %swap3A_582 = tpu.vector_load %arg5[%swap3A_580, %swap3A_581] {strides = array<i32>} : memref<4x128xi32, #tpu.memory_space<vmem>>, vector<1x16xi32>,
    %swap3A_583 = vector.shape_cast %swap3A_582 : vector<1x16xi32> to vector<16xi32>
    %swap3A_584 = vector.shape_cast %select_n3A_578 : vector<16xi32> to vector<1x16xi32>
    tpu.vector_store %arg5[%swap3A_580, %swap3A_581], %swap3A_584 {strides = array<i32>} : memref<4x128xi32, #tpu.memory_space<vmem>>, vector<1x16xi32>,
    %dma_start3A = arith.constant 0 : i32
    %dma_start3A_585 = arith.constant 0 : i32
    %dma_start3A_586 = arith.constant 0 : i32
    %dma_start3A_587 = tpu.memref_slice %arg6[%dma_start3A_585, %dma_start3A_586] : memref<512x128xf32, #tpu.memory_space<vmem>> -> memref<128x128xf32, #tpu.memory_space<vmem>>
    %dma_start3A_588 = arith.constant 0 : i32
    %dma_start3A_589 = tpu.memref_slice %arg5[%dma_start3A, %dma_start3A_588] : memref<4x128xi32, #tpu.memory_space<vmem>> -> memref<1x128xi32, #tpu.memory_space<vmem>>
    %dma_start3A_590 = tpu.memref_squeeze %dma_start3A_589 : memref<1x128xi32, #tpu.memory_space<vmem>> -> memref<128xi32, #tpu.memory_space<vmem>>
    %dma_start3A_591 = arith.constant 0 : i32
    %dma_start3A_592 = arith.constant 0 : i32
    %dma_start3A_593 = tpu.memref_slice %arg3[%dma_start3A_591, %dma_start3A_592] : memref<51200x128xf32, #tpu.memory_space<hbm>> -> memref<51200x128xf32, #tpu.memory_space<hbm>>
    tpu.enqueue_indirect_dma source(%dma_start3A_593 : memref<51200x128xf32, #tpu.memory_space<hbm>>) target(%dma_start3A_587 : memref<128x128xf32, #tpu.memory_space<vmem>>) offsets(%dma_start3A_590 : memref<128xi32, #tpu.memory_space<vmem>>) semaphore(%arg7 : memref<!tpu.dma_semaphore, #tpu.memory_space<semaphore_mem>>)
    %dma_start3A_594 = arith.constant 1 : i32
    %dma_start3A_595 = arith.constant 128 : i32
    %dma_start3A_596 = arith.constant 0 : i32
    %dma_start3A_597 = tpu.memref_slice %arg6[%dma_start3A_595, %dma_start3A_596] : memref<512x128xf32, #tpu.memory_space<vmem>> -> memref<128x128xf32, #tpu.memory_space<vmem>>
    %dma_start3A_598 = arith.constant 0 : i32
    %dma_start3A_599 = tpu.memref_slice %arg5[%dma_start3A_594, %dma_start3A_598] : memref<4x128xi32, #tpu.memory_space<vmem>> -> memref<1x128xi32, #tpu.memory_space<vmem>>
    %dma_start3A_600 = tpu.memref_squeeze %dma_start3A_599 : memref<1x128xi32, #tpu.memory_space<vmem>> -> memref<128xi32, #tpu.memory_space<vmem>>
    %dma_start3A_601 = arith.constant 0 : i32
    %dma_start3A_602 = arith.constant 0 : i32
    %dma_start3A_603 = tpu.memref_slice %arg3[%dma_start3A_601, %dma_start3A_602] : memref<51200x128xf32, #tpu.memory_space<hbm>> -> memref<51200x128xf32, #tpu.memory_space<hbm>>
    tpu.enqueue_indirect_dma source(%dma_start3A_603 : memref<51200x128xf32, #tpu.memory_space<hbm>>) target(%dma_start3A_597 : memref<128x128xf32, #tpu.memory_space<vmem>>) offsets(%dma_start3A_600 : memref<128xi32, #tpu.memory_space<vmem>>) semaphore(%arg7 : memref<!tpu.dma_semaphore, #tpu.memory_space<semaphore_mem>>)
    %dma_start3A_604 = arith.constant 2 : i32
    %dma_start3A_605 = arith.constant 256 : i32
    %dma_start3A_606 = arith.constant 0 : i32
    %dma_start3A_607 = tpu.memref_slice %arg6[%dma_start3A_605, %dma_start3A_606] : memref<512x128xf32, #tpu.memory_space<vmem>> -> memref<128x128xf32, #tpu.memory_space<vmem>>
    %dma_start3A_608 = arith.constant 0 : i32
    %dma_start3A_609 = tpu.memref_slice %arg5[%dma_start3A_604, %dma_start3A_608] : memref<4x128xi32, #tpu.memory_space<vmem>> -> memref<1x128xi32, #tpu.memory_space<vmem>>
    %dma_start3A_610 = tpu.memref_squeeze %dma_start3A_609 : memref<1x128xi32, #tpu.memory_space<vmem>> -> memref<128xi32, #tpu.memory_space<vmem>>
    %dma_start3A_611 = arith.constant 0 : i32
    %dma_start3A_612 = arith.constant 0 : i32
    %dma_start3A_613 = tpu.memref_slice %arg3[%dma_start3A_611, %dma_start3A_612] : memref<51200x128xf32, #tpu.memory_space<hbm>> -> memref<51200x128xf32, #tpu.memory_space<hbm>>
    tpu.enqueue_indirect_dma source(%dma_start3A_613 : memref<51200x128xf32, #tpu.memory_space<hbm>>) target(%dma_start3A_607 : memref<128x128xf32, #tpu.memory_space<vmem>>) offsets(%dma_start3A_610 : memref<128xi32, #tpu.memory_space<vmem>>) semaphore(%arg7 : memref<!tpu.dma_semaphore, #tpu.memory_space<semaphore_mem>>)
    %dma_start3A_614 = arith.constant 3 : i32
    %dma_start3A_615 = arith.constant 384 : i32
    %dma_start3A_616 = arith.constant 0 : i32
    %dma_start3A_617 = tpu.memref_slice %arg6[%dma_start3A_615, %dma_start3A_616] : memref<512x128xf32, #tpu.memory_space<vmem>> -> memref<128x128xf32, #tpu.memory_space<vmem>>
    %dma_start3A_618 = arith.constant 0 : i32
    %dma_start3A_619 = tpu.memref_slice %arg5[%dma_start3A_614, %dma_start3A_618] : memref<4x128xi32, #tpu.memory_space<vmem>> -> memref<1x128xi32, #tpu.memory_space<vmem>>
    %dma_start3A_620 = tpu.memref_squeeze %dma_start3A_619 : memref<1x128xi32, #tpu.memory_space<vmem>> -> memref<128xi32, #tpu.memory_space<vmem>>
    %dma_start3A_621 = arith.constant 0 : i32
    %dma_start3A_622 = arith.constant 0 : i32
    %dma_start3A_623 = tpu.memref_slice %arg3[%dma_start3A_621, %dma_start3A_622] : memref<51200x128xf32, #tpu.memory_space<hbm>> -> memref<51200x128xf32, #tpu.memory_space<hbm>>
    tpu.enqueue_indirect_dma source(%dma_start3A_623 : memref<51200x128xf32, #tpu.memory_space<hbm>>) target(%dma_start3A_617 : memref<128x128xf32, #tpu.memory_space<vmem>>) offsets(%dma_start3A_620 : memref<128xi32, #tpu.memory_space<vmem>>) semaphore(%arg7 : memref<!tpu.dma_semaphore, #tpu.memory_space<semaphore_mem>>)
    %dma_wait3A = arith.constant 0 : i32
    %dma_wait3A_624 = arith.constant 0 : i32
    %dma_wait3A_625 = arith.constant 0 : i32
    %dma_wait3A_626 = tpu.memref_slice %arg6[%dma_wait3A_624, %dma_wait3A_625] : memref<512x128xf32, #tpu.memory_space<vmem>> -> memref<128x128xf32, #tpu.memory_space<vmem>>
    %dma_wait3A_627 = arith.constant 0 : i32
    %dma_wait3A_628 = tpu.memref_slice %arg5[%dma_wait3A, %dma_wait3A_627] : memref<4x128xi32, #tpu.memory_space<vmem>> -> memref<1x128xi32, #tpu.memory_space<vmem>>
    %dma_wait3A_629 = tpu.memref_squeeze %dma_wait3A_628 : memref<1x128xi32, #tpu.memory_space<vmem>> -> memref<128xi32, #tpu.memory_space<vmem>>
    %dma_wait3A_630 = arith.constant 0 : i32
    %dma_wait3A_631 = arith.constant 0 : i32
    %dma_wait3A_632 = tpu.memref_slice %arg3[%dma_wait3A_630, %dma_wait3A_631] : memref<51200x128xf32, #tpu.memory_space<hbm>> -> memref<51200x128xf32, #tpu.memory_space<hbm>>
    tpu.wait_indirect_dma semaphore(%arg7 : memref<!tpu.dma_semaphore, #tpu.memory_space<semaphore_mem>>) src(%dma_wait3A_632 : memref<51200x128xf32, #tpu.memory_space<hbm>>) dst(%dma_wait3A_626 : memref<128x128xf32, #tpu.memory_space<vmem>>)
    %dma_wait3A_633 = arith.constant 1 : i32
    %dma_wait3A_634 = arith.constant 128 : i32
    %dma_wait3A_635 = arith.constant 0 : i32
    %dma_wait3A_636 = tpu.memref_slice %arg6[%dma_wait3A_634, %dma_wait3A_635] : memref<512x128xf32, #tpu.memory_space<vmem>> -> memref<128x128xf32, #tpu.memory_space<vmem>>
    %dma_wait3A_637 = arith.constant 0 : i32
    %dma_wait3A_638 = tpu.memref_slice %arg5[%dma_wait3A_633, %dma_wait3A_637] : memref<4x128xi32, #tpu.memory_space<vmem>> -> memref<1x128xi32, #tpu.memory_space<vmem>>
    %dma_wait3A_639 = tpu.memref_squeeze %dma_wait3A_638 : memref<1x128xi32, #tpu.memory_space<vmem>> -> memref<128xi32, #tpu.memory_space<vmem>>
    %dma_wait3A_640 = arith.constant 0 : i32
    %dma_wait3A_641 = arith.constant 0 : i32
    %dma_wait3A_642 = tpu.memref_slice %arg3[%dma_wait3A_640, %dma_wait3A_641] : memref<51200x128xf32, #tpu.memory_space<hbm>> -> memref<51200x128xf32, #tpu.memory_space<hbm>>
    tpu.wait_indirect_dma semaphore(%arg7 : memref<!tpu.dma_semaphore, #tpu.memory_space<semaphore_mem>>) src(%dma_wait3A_642 : memref<51200x128xf32, #tpu.memory_space<hbm>>) dst(%dma_wait3A_636 : memref<128x128xf32, #tpu.memory_space<vmem>>)
    %dma_wait3A_643 = arith.constant 2 : i32
    %dma_wait3A_644 = arith.constant 256 : i32
    %dma_wait3A_645 = arith.constant 0 : i32
    %dma_wait3A_646 = tpu.memref_slice %arg6[%dma_wait3A_644, %dma_wait3A_645] : memref<512x128xf32, #tpu.memory_space<vmem>> -> memref<128x128xf32, #tpu.memory_space<vmem>>
    %dma_wait3A_647 = arith.constant 0 : i32
    %dma_wait3A_648 = tpu.memref_slice %arg5[%dma_wait3A_643, %dma_wait3A_647] : memref<4x128xi32, #tpu.memory_space<vmem>> -> memref<1x128xi32, #tpu.memory_space<vmem>>
    %dma_wait3A_649 = tpu.memref_squeeze %dma_wait3A_648 : memref<1x128xi32, #tpu.memory_space<vmem>> -> memref<128xi32, #tpu.memory_space<vmem>>
    %dma_wait3A_650 = arith.constant 0 : i32
    %dma_wait3A_651 = arith.constant 0 : i32
    %dma_wait3A_652 = tpu.memref_slice %arg3[%dma_wait3A_650, %dma_wait3A_651] : memref<51200x128xf32, #tpu.memory_space<hbm>> -> memref<51200x128xf32, #tpu.memory_space<hbm>>
    tpu.wait_indirect_dma semaphore(%arg7 : memref<!tpu.dma_semaphore, #tpu.memory_space<semaphore_mem>>) src(%dma_wait3A_652 : memref<51200x128xf32, #tpu.memory_space<hbm>>) dst(%dma_wait3A_646 : memref<128x128xf32, #tpu.memory_space<vmem>>)
    %dma_wait3A_653 = arith.constant 3 : i32
    %dma_wait3A_654 = arith.constant 384 : i32
    %dma_wait3A_655 = arith.constant 0 : i32
    %dma_wait3A_656 = tpu.memref_slice %arg6[%dma_wait3A_654, %dma_wait3A_655] : memref<512x128xf32, #tpu.memory_space<vmem>> -> memref<128x128xf32, #tpu.memory_space<vmem>>
    %dma_wait3A_657 = arith.constant 0 : i32
    %dma_wait3A_658 = tpu.memref_slice %arg5[%dma_wait3A_653, %dma_wait3A_657] : memref<4x128xi32, #tpu.memory_space<vmem>> -> memref<1x128xi32, #tpu.memory_space<vmem>>
    %dma_wait3A_659 = tpu.memref_squeeze %dma_wait3A_658 : memref<1x128xi32, #tpu.memory_space<vmem>> -> memref<128xi32, #tpu.memory_space<vmem>>
    %dma_wait3A_660 = arith.constant 0 : i32
    %dma_wait3A_661 = arith.constant 0 : i32
    %dma_wait3A_662 = tpu.memref_slice %arg3[%dma_wait3A_660, %dma_wait3A_661] : memref<51200x128xf32, #tpu.memory_space<hbm>> -> memref<51200x128xf32, #tpu.memory_space<hbm>>
    tpu.wait_indirect_dma semaphore(%arg7 : memref<!tpu.dma_semaphore, #tpu.memory_space<semaphore_mem>>) src(%dma_wait3A_662 : memref<51200x128xf32, #tpu.memory_space<hbm>>) dst(%dma_wait3A_656 : memref<128x128xf32, #tpu.memory_space<vmem>>)
    "tpu.region"() ({
      %run_scoped3A_663 = tpu.sem_alloc : memref<!tpu.dma_semaphore, #tpu.memory_space<semaphore_mem>>
      %dma_start3A_664 = arith.constant 0 : i32
      %dma_start3A_665 = tpu.memref_slice %arg4[%mul3A_2, %dma_start3A_664] : memref<16384x128xf32, #tpu.memory_space<hbm>> -> memref<512x128xf32, #tpu.memory_space<hbm>>
      %dma_start3A_666 = arith.constant 0 : i32
      %dma_start3A_667 = tpu.memref_slice %arg4[%mul3A_2, %dma_start3A_666] : memref<16384x128xf32, #tpu.memory_space<hbm>> -> memref<512x128xf32, #tpu.memory_space<hbm>>
      tpu.enqueue_dma source(%arg6 : memref<512x128xf32, #tpu.memory_space<vmem>>) target(%dma_start3A_667 : memref<512x128xf32, #tpu.memory_space<hbm>>) target_semaphore(%run_scoped3A_663 : memref<!tpu.dma_semaphore, #tpu.memory_space<semaphore_mem>>)
      %dma_wait3A_668 = arith.constant 0 : i32
      %dma_wait3A_669 = tpu.memref_slice %arg4[%mul3A_2, %dma_wait3A_668] : memref<16384x128xf32, #tpu.memory_space<hbm>> -> memref<512x128xf32, #tpu.memory_space<hbm>>
      %dma_wait3A_670 = arith.constant 0 : i32
      %dma_wait3A_671 = tpu.memref_slice %arg4[%mul3A_2, %dma_wait3A_670] : memref<16384x128xf32, #tpu.memory_space<hbm>> -> memref<512x128xf32, #tpu.memory_space<hbm>>
      tpu.wait_dma2 semaphore(%run_scoped3A_663 : memref<!tpu.dma_semaphore, #tpu.memory_space<semaphore_mem>>) src(%arg6 : memref<512x128xf32, #tpu.memory_space<vmem>>) dst(%dma_wait3A_671 : memref<512x128xf32, #tpu.memory_space<hbm>>)
      tpu.yield
    }) : () -> ()
    return
  }
}

module attributes {stable_mosaic.version = 14 : i64} {
  func.func @_tc_body(%arg0: i32, %arg1: memref<4x2048xf32, #tpu.memory_space<vmem>>, %arg2: memref<8x2048xi32, #tpu.memory_space<vmem>>, %arg3: memref<2048x128xf32, #tpu.memory_space<vmem>>, %arg4: memref<8x128xf32, #tpu.memory_space<vmem>>, %arg5: memref<4x32xf32, #tpu.memory_space<vmem>>, %arg6: memref<1x32xf32, #tpu.memory_space<vmem>>, %arg7: memref<32x64xf32, #tpu.memory_space<vmem>>, %arg8: memref<64x64xf32, #tpu.memory_space<vmem>>, %arg9: memref<64x2048xf32, #tpu.memory_space<vmem>>) attributes {dimension_semantics = [#tpu.dimension_semantics<arbitrary>], iteration_bounds = array<i64: 8>, scalar_prefetch = 0 : i64, scratch_operands = 0 : i64, tpu.core_type = #tpu.core_type<tc>, window_params = [{transform_indices = @transform_0, window_bounds = array<i64: 4, 2048>}, {pipeline_mode = #tpu.pipeline_mode<synchronous>, transform_indices = @transform_1, window_bounds = array<i64: 8, 2048>}, {transform_indices = @transform_2, window_bounds = array<i64: 2048, 128>}, {transform_indices = @transform_3, window_bounds = array<i64: 8, 128>}, {pipeline_mode = #tpu.pipeline_mode<synchronous>, transform_indices = @transform_4, window_bounds = array<i64: 4, 32>}, {pipeline_mode = #tpu.pipeline_mode<synchronous>, transform_indices = @transform_5, window_bounds = array<i64: 1, 32>}, {pipeline_mode = #tpu.pipeline_mode<synchronous>, transform_indices = @transform_6, window_bounds = array<i64: 32, 64>}, {pipeline_mode = #tpu.pipeline_mode<synchronous>, transform_indices = @transform_7, window_bounds = array<i64: 64, 64>}, {transform_indices = @transform_8, window_bounds = array<i64: 64, 2048>}]} {
    %get3A = arith.constant 0 : index
    %get3A_0 = arith.constant 0 : index
    %get3A_1 = vector.load %arg1[%get3A, %get3A_0] : memref<4x2048xf32, #tpu.memory_space<vmem>>, vector<4x2048xf32>
    %get3A_2 = arith.constant 0 : index
    %get3A_3 = arith.constant 0 : index
    %get3A_4 = vector.load %arg5[%get3A_2, %get3A_3] : memref<4x32xf32, #tpu.memory_space<vmem>>, vector<4x32xf32>
    %dot_general3A = arith.constant dense<0.000000e+00> : vector<32x2048xf32>
    %dot_general3A_5 = tpu.matmul %get3A_4, %get3A_1, %dot_general3A {dimension_numbers = #tpu.dot_dimension_numbers<[0], [0], [1], [1], [0, 1, 1, 1], [], []>, transpose_lhs_hint = false} : vector<4x32xf32>, vector<4x2048xf32>, vector<32x2048xf32> -> vector<32x2048xf32>
    %get3A_6 = arith.constant 0 : index
    %get3A_7 = arith.constant 0 : index
    %get3A_8 = vector.load %arg6[%get3A_6, %get3A_7] : memref<1x32xf32, #tpu.memory_space<vmem>>, vector<1x32xf32>
    %transpose3A = tpu.transpose %get3A_8, [1, 0] : vector<1x32xf32> -> vector<32x1xf32>
    %add3A = vector.broadcast %transpose3A : vector<32x1xf32> to vector<32x2048xf32>
    %add3A_9 = arith.addf %dot_general3A_5, %add3A : vector<32x2048xf32>
    %mul3A = arith.constant 5.000000e-01 : f32
    %mul3A_10 = vector.broadcast %mul3A : f32 to vector<32x2048xf32>
    %mul3A_11 = arith.mulf %mul3A_10, %add3A_9 : vector<32x2048xf32>
    %mul3A_12 = arith.constant 0.707106769 : f32
    %mul3A_13 = vector.broadcast %mul3A_12 : f32 to vector<32x2048xf32>
    %mul3A_14 = arith.mulf %add3A_9, %mul3A_13 : vector<32x2048xf32>
    %erf3A = math.erf %mul3A_14 : vector<32x2048xf32>
    %add3A_15 = arith.constant 1.000000e+00 : f32
    %add3A_16 = vector.broadcast %add3A_15 : f32 to vector<32x2048xf32>
    %add3A_17 = arith.addf %add3A_16, %erf3A : vector<32x2048xf32>
    %mul3A_18 = arith.mulf %mul3A_11, %add3A_17 : vector<32x2048xf32>
    %get3A_19 = arith.constant 0 : index
    %get3A_20 = arith.constant 0 : index
    %get3A_21 = vector.load %arg7[%get3A_19, %get3A_20] : memref<32x64xf32, #tpu.memory_space<vmem>>, vector<32x64xf32>
    %dot_general3A_22 = arith.constant dense<0.000000e+00> : vector<64x2048xf32>
    %dot_general3A_23 = tpu.matmul %get3A_21, %mul3A_18, %dot_general3A_22 {dimension_numbers = #tpu.dot_dimension_numbers<[0], [0], [1], [1], [0, 1, 1, 1], [], []>, transpose_lhs_hint = false} : vector<32x64xf32>, vector<32x2048xf32>, vector<64x2048xf32> -> vector<64x2048xf32>
    %get3A_24 = arith.constant 0 : index
    %get3A_25 = arith.constant 0 : index
    %get3A_26 = vector.load %arg8[%get3A_24, %get3A_25] : memref<64x64xf32, #tpu.memory_space<vmem>>, vector<64x64xf32>
    %get3A_27 = arith.constant 0 : index
    %get3A_28 = arith.constant 0 : index
    %get3A_29 = vector.load %arg3[%get3A_27, %get3A_28] : memref<2048x128xf32, #tpu.memory_space<vmem>>, vector<2048x128xf32>
    %slice3A = vector.extract_strided_slice %get3A_29 {offsets = [0, 0], sizes = [2048, 64], strides = [1, 1]} : vector<2048x128xf32> to vector<2048x64xf32>
    %dot_general3A_30 = arith.constant dense<0.000000e+00> : vector<64x2048xf32>
    %dot_general3A_31 = tpu.matmul %get3A_26, %slice3A, %dot_general3A_30 {dimension_numbers = #tpu.dot_dimension_numbers<[0], [1], [1], [0], [0, 1, 1, 0], [], []>, transpose_lhs_hint = false} : vector<64x64xf32>, vector<2048x64xf32>, vector<64x2048xf32> -> vector<64x2048xf32>
    %slice3A_32 = vector.extract_strided_slice %get3A_29 {offsets = [0, 64], sizes = [2048, 64], strides = [1, 1]} : vector<2048x128xf32> to vector<2048x64xf32>
    %dot_general3A_33 = arith.constant dense<0.000000e+00> : vector<64x2048xf32>
    %dot_general3A_34 = tpu.matmul %get3A_26, %slice3A_32, %dot_general3A_33 {dimension_numbers = #tpu.dot_dimension_numbers<[0], [1], [1], [0], [0, 1, 1, 0], [], []>, transpose_lhs_hint = false} : vector<64x64xf32>, vector<2048x64xf32>, vector<64x2048xf32> -> vector<64x2048xf32>
    %get3A_35 = arith.index_cast %arg0 : i32 to index
    %get3A_36 = arith.constant 0 : index
    %get3A_37 = vector.load %arg2[%get3A_35, %get3A_36] : memref<8x2048xi32, #tpu.memory_space<vmem>>, vector<1x2048xi32>
    %ge3A = arith.constant 51200 : i32
    %ge3A_38 = vector.broadcast %ge3A : i32 to vector<1x2048xi32>
    %ge3A_39 = arith.cmpi sge, %get3A_37, %ge3A_38 : vector<1x2048xi32>
    %broadcast_in_dim3A = vector.shape_cast %ge3A_39 : vector<1x2048xi1> to vector<1x2048xi1>
    %broadcast_in_dim3A_40 = vector.broadcast %broadcast_in_dim3A : vector<1x2048xi1> to vector<64x2048xi1>
    %select_n3A = arith.select %broadcast_in_dim3A_40, %dot_general3A_34, %dot_general3A_31 : vector<64x2048xi1>, vector<64x2048xf32>
    %abs3A = math.absf %get3A_1 : vector<4x2048xf32>
    %reduce_max3A = arith.constant dense<0xFF800000> : vector<2048xf32>
    %reduce_max3A_41 = vector.multi_reduction <maximumf>, %abs3A, %reduce_max3A [0] : vector<4x2048xf32> to vector<2048xf32>
    %broadcast_in_dim3A_42 = vector.shape_cast %reduce_max3A_41 : vector<2048xf32> to vector<1x2048xf32>
    %eq3A = arith.constant 0.000000e+00 : f32
    %eq3A_43 = vector.broadcast %eq3A : f32 to vector<1x2048xf32>
    %eq3A_44 = arith.cmpf oeq, %broadcast_in_dim3A_42, %eq3A_43 : vector<1x2048xf32>
    %get3A_45 = arith.constant 0 : index
    %get3A_46 = arith.constant 0 : index
    %get3A_47 = vector.load %arg4[%get3A_45, %get3A_46] : memref<8x128xf32, #tpu.memory_space<vmem>>, vector<8x128xf32>
    %slice3A_48 = vector.extract_strided_slice %get3A_47 {offsets = [0, 0], sizes = [1, 64], strides = [1, 1]} : vector<8x128xf32> to vector<1x64xf32>
    %transpose3A_49 = tpu.transpose %slice3A_48, [1, 0] : vector<1x64xf32> -> vector<64x1xf32>
    %add3A_50 = arith.addf %dot_general3A_23, %select_n3A : vector<64x2048xf32>
    %broadcast_in_dim3A_51 = vector.shape_cast %eq3A_44 : vector<1x2048xi1> to vector<1x2048xi1>
    %broadcast_in_dim3A_52 = vector.broadcast %broadcast_in_dim3A_51 : vector<1x2048xi1> to vector<64x2048xi1>
    %broadcast_in_dim3A_53 = vector.shape_cast %transpose3A_49 : vector<64x1xf32> to vector<64x1xf32>
    %broadcast_in_dim3A_54 = vector.broadcast %broadcast_in_dim3A_53 : vector<64x1xf32> to vector<64x2048xf32>
    %select_n3A_55 = arith.select %broadcast_in_dim3A_52, %broadcast_in_dim3A_54, %add3A_50 : vector<64x2048xi1>, vector<64x2048xf32>
    %swap3A = arith.constant 0 : index
    %swap3A_56 = arith.constant 0 : index
    %swap3A_57 = vector.load %arg9[%swap3A, %swap3A_56] : memref<64x2048xf32, #tpu.memory_space<vmem>>, vector<64x2048xf32>
    tpu.vector_store %arg9[%swap3A, %swap3A_56], %select_n3A_55 {strides = array<i32>} : memref<64x2048xf32, #tpu.memory_space<vmem>>, vector<64x2048xf32>,
    return
  }
  func.func @transform_0(%arg0: i32) -> (i32, i32) {
    %c0_i32 = arith.constant 0 : i32
    %c0_i32_0 = arith.constant 0 : i32
    return %c0_i32, %arg0 : i32, i32
  }
  func.func @transform_1(%arg0: i32) -> (i32, i32) {
    %c0_i32 = arith.constant 0 : i32
    %c0_i32_0 = arith.constant 0 : i32
    %c0_i32_1 = arith.constant 0 : i32
    return %c0_i32, %c0_i32_0 : i32, i32
  }
  func.func @transform_2(%arg0: i32) -> (i32, i32) {
    %c0_i32 = arith.constant 0 : i32
    %c0_i32_0 = arith.constant 0 : i32
    return %arg0, %c0_i32 : i32, i32
  }
  func.func @transform_3(%arg0: i32) -> (i32, i32) {
    %c0_i32 = arith.constant 0 : i32
    %c0_i32_0 = arith.constant 0 : i32
    %c0_i32_1 = arith.constant 0 : i32
    return %c0_i32, %c0_i32_0 : i32, i32
  }
  func.func @transform_4(%arg0: i32) -> (i32, i32) {
    %c0_i32 = arith.constant 0 : i32
    %c0_i32_0 = arith.constant 0 : i32
    %c0_i32_1 = arith.constant 0 : i32
    return %c0_i32, %c0_i32_0 : i32, i32
  }
  func.func @transform_5(%arg0: i32) -> (i32, i32) {
    %c0_i32 = arith.constant 0 : i32
    %c0_i32_0 = arith.constant 0 : i32
    %c0_i32_1 = arith.constant 0 : i32
    return %c0_i32, %c0_i32_0 : i32, i32
  }
  func.func @transform_6(%arg0: i32) -> (i32, i32) {
    %c0_i32 = arith.constant 0 : i32
    %c0_i32_0 = arith.constant 0 : i32
    %c0_i32_1 = arith.constant 0 : i32
    return %c0_i32, %c0_i32_0 : i32, i32
  }
  func.func @transform_7(%arg0: i32) -> (i32, i32) {
    %c0_i32 = arith.constant 0 : i32
    %c0_i32_0 = arith.constant 0 : i32
    %c0_i32_1 = arith.constant 0 : i32
    return %c0_i32, %c0_i32_0 : i32, i32
  }
  func.func @transform_8(%arg0: i32) -> (i32, i32) {
    %c0_i32 = arith.constant 0 : i32
    %c0_i32_0 = arith.constant 0 : i32
    return %c0_i32, %arg0 : i32, i32
  }
}

module attributes {stable_mosaic.version = 14 : i64} {
  func.func @_repack_body(%arg0: i32, %arg1: memref<64x2048xf32, #tpu.memory_space<vmem>>, %arg2: memref<64x2048xf32, #tpu.memory_space<vmem>>, %arg3: memref<64x64xf32, #tpu.memory_space<vmem>>, %arg4: memref<2048x128xf32, #tpu.memory_space<vmem>>) attributes {dimension_semantics = [#tpu.dimension_semantics<arbitrary>], iteration_bounds = array<i64: 25>, scalar_prefetch = 0 : i64, scratch_operands = 0 : i64, tpu.core_type = #tpu.core_type<tc>, window_params = [{transform_indices = @transform_0, window_bounds = array<i64: 64, 2048>}, {transform_indices = @transform_1, window_bounds = array<i64: 64, 2048>}, {pipeline_mode = #tpu.pipeline_mode<synchronous>, transform_indices = @transform_2, window_bounds = array<i64: 64, 64>}, {transform_indices = @transform_3, window_bounds = array<i64: 2048, 128>}]} {
    %get3A = arith.constant 0 : index
    %get3A_0 = arith.constant 0 : index
    %get3A_1 = vector.load %arg3[%get3A, %get3A_0] : memref<64x64xf32, #tpu.memory_space<vmem>>, vector<64x64xf32>
    %get3A_2 = arith.constant 0 : index
    %get3A_3 = arith.constant 0 : index
    %get3A_4 = vector.load %arg1[%get3A_2, %get3A_3] : memref<64x2048xf32, #tpu.memory_space<vmem>>, vector<64x2048xf32>
    %dot_general3A = arith.constant dense<0.000000e+00> : vector<2048x64xf32>
    %dot_general3A_5 = tpu.matmul %get3A_4, %get3A_1, %dot_general3A {dimension_numbers = #tpu.dot_dimension_numbers<[0], [0], [1], [1], [0, 1, 1, 1], [], []>, transpose_lhs_hint = false} : vector<64x2048xf32>, vector<64x64xf32>, vector<2048x64xf32> -> vector<2048x64xf32>
    %get3A_6 = arith.constant 0 : index
    %get3A_7 = arith.constant 0 : index
    %get3A_8 = vector.load %arg2[%get3A_6, %get3A_7] : memref<64x2048xf32, #tpu.memory_space<vmem>>, vector<64x2048xf32>
    %dot_general3A_9 = arith.constant dense<0.000000e+00> : vector<2048x64xf32>
    %dot_general3A_10 = tpu.matmul %get3A_8, %get3A_1, %dot_general3A_9 {dimension_numbers = #tpu.dot_dimension_numbers<[0], [0], [1], [1], [0, 1, 1, 1], [], []>, transpose_lhs_hint = false} : vector<64x2048xf32>, vector<64x64xf32>, vector<2048x64xf32> -> vector<2048x64xf32>
    %concatenate3A = tpu.concatenate %dot_general3A_5, %dot_general3A_10 in 1 : vector<2048x64xf32>, vector<2048x64xf32> -> vector<2048x128xf32>
    %swap3A = arith.constant 0 : index
    %swap3A_11 = arith.constant 0 : index
    %swap3A_12 = vector.load %arg4[%swap3A, %swap3A_11] : memref<2048x128xf32, #tpu.memory_space<vmem>>, vector<2048x128xf32>
    tpu.vector_store %arg4[%swap3A, %swap3A_11], %concatenate3A {strides = array<i32>} : memref<2048x128xf32, #tpu.memory_space<vmem>>, vector<2048x128xf32>,
    return
  }
  func.func @transform_0(%arg0: i32) -> (i32, i32) {
    %c0_i32 = arith.constant 0 : i32
    %c0_i32_0 = arith.constant 0 : i32
    return %c0_i32, %arg0 : i32, i32
  }
  func.func @transform_1(%arg0: i32) -> (i32, i32) {
    %add3A = arith.constant 25 : i32
    %add3A_0 = arith.addi %arg0, %add3A : i32
    %min3A = arith.constant 48 : i32
    %min3A_1 = arith.minsi %add3A_0, %min3A : i32
    %c0_i32 = arith.constant 0 : i32
    %c0_i32_2 = arith.constant 0 : i32
    return %c0_i32, %min3A_1 : i32, i32
  }
  func.func @transform_2(%arg0: i32) -> (i32, i32) {
    %c0_i32 = arith.constant 0 : i32
    %c0_i32_0 = arith.constant 0 : i32
    %c0_i32_1 = arith.constant 0 : i32
    return %c0_i32, %c0_i32_0 : i32, i32
  }
  func.func @transform_3(%arg0: i32) -> (i32, i32) {
    %c0_i32 = arith.constant 0 : i32
    %c0_i32_0 = arith.constant 0 : i32
    return %arg0, %c0_i32 : i32, i32
  }
}

</mosaic_0001>

<sc_bundles>
// kernel: kernel.5.cloned.1.call-start
scs
__scs_entry_jumppad:
0x0: {  	(pc) =	sbr.rel $0x88, $3  }
0x1: {  	(tag) =	ssettag $0x0;
	lr =	simm.s32 $0x1  }
0x2: {  	[smem:$0x3F9B] =	sst lr;
	_ =	strace $0xD0000000  }
0x3: {  	_ = 	snop  }
0x4: {  	_ = 	snop  }
0x5: {  	_ = 	snop  }
0x6: {  	_ = 	snop  }
0x7: {  	_ = 	snop  }
__scs_overlays_trampoline_lowered:
0x8: {  	[smem:$0x3FAA] =	sst s0  }
0x9: {  	[smem:$0x3FAB] =	sst s1  }
0xa: {  	[smem:$0x3FAC] =	sst s2  }
0xb: {  	[smem:$0x3FAD] =	sst s3  }
0xc: {  	[smem:$0x3FAE] =	sst s4  }
0xd: {  	[smem:$0x3FAF] =	sst s5  }
0xe: {  	[smem:$0x3FB0] =	sst s6  }
0xf: {  	[smem:$0x3FB1] =	sst s7  }
0x10: {  	[smem:$0x3FB2] =	sst s8  }
0x11: {  	[smem:$0x3FB3] =	sst s9;
	s0 =	simm.s32 @!p0 $0x0  }
0x12: {  	s1 =	sld [smem:$0x3F99];
	s0 =	simm.s32 @p0 $0x1  }
0x13: {  	[smem:$0x3FB4] =	sst s0;
	s0 =	simm.s32 @!p1 $0x0  }
0x14: {  	s2 =	sld [smem:$0x3F98];
	s0 =	simm.s32 @p1 $0x1  }
0x15: {  	[smem:$0x3FB5] =	sst s0;
	s0 =	simm.s32 @!p2 $0x0  }
0x16: {  	s3 =	sld [smem:$0x3FDB];
	s0 =	simm.s32 @p2 $0x1  }
0x17: {  	s4 =	simm.s32 $0x1BF5;
	[smem:$0x3FB7] =	sst s0  }
0x18: {  	s0 =	sld [smem:$0x3F9A];
	_ =	swait.ge [sflag:s4], $0x0  }
0x19: {  	s7 =	sld [smem:$0x3F9B]  }
0x1a: {  	s8 =	sadd.s32 $0xFFFFE003, lr  }
0x1b: {  	s9 =	sadd.s32 $0xFFFFFEF7, lr;
	s5 =	simm.s32 $0xFFFFFFFF;
	p2 =	slt.u32 s8, $0xFFFFF086  }
0x1c: {  	p1 =	slt.u32 s9, $0xF7A;
	s5 =	simm.s32 @!p2 $0x0  }
0x1d: {  	s5 =	simm.s32 @p1 $0x1;
	p0 =	seq.s32 s7, s2  }
0x1e: {  	s7 =	smul.u32 @!p0 $0xF7A, s2;
	p2 =	seq.s32 @!p0 s5, $0x0  }
0x1f: {  	s9 =	smul.u32 $0xF7A, s1;
	s8 =	simm.s32 @!p0 $0x1BF5;
	p2 =	por !p2, p0  }
0x20: {  	[sflag:s8] =	ssyncset.s32 @!p0 $0xFFFFF086;
	s6 =	sadd.s32 @!p0 s3, s7;
	s7 =	simm.s32 @!p0 $0x108  }
0x21: {  	s3 =	sadd.s32 s3, s9;
	s6 =	sadd.s32 @!p0 $0x88, s6;
	s7 =	simm.s32 @p2 $0x1082  }
0x22: {  	[simem:s7], [sflag:s8] =	dma.local @!p0 [hbm:s6], $0xF7A  }
0x23: {  	s9 =	sor.u32 $0xD0000000, s2;
	s6 =	simm.s32 $0x108;
	_ =	swait.ge @!p0 [sflag:s8], $0x0  }
0x24: {  	s3 =	sadd.s32 $0x88, s3;
	s6 =	simm.s32 @!p1 $0x1082;
	[sflag:s4] =	ssyncset.s32 $0xFFFFF086  }
0x25: {  	[simem:s6], [sflag:s4] =	dma.local [hbm:s3], $0xF7A  }
0x26: {  	[smem:$0x3F9B] =	sst s1;
	(tag) =	ssettag s2;
	_ =	strace s9  }
0x27: {  	s1 =	sld [smem:$0x3FAB]  }
0x28: {  	s2 =	sld [smem:$0x3FAC]  }
0x29: {  	s4 =	sld [smem:$0x3FAE]  }
0x2a: {  	p0 =	seq.s32 s5, $0x0;
	s5 =	sld [smem:$0x3FAF]  }
0x2b: {  	s6 =	sld [smem:$0x3FB0]  }
0x2c: {  	s7 =	sld [smem:$0x3FB1]  }
0x2d: {  	s3 =	simm.s32 $0x108;
	s8 =	sld [smem:$0x3FB2]  }
0x2e: {  	s3 =	simm.s32 @!p0 $0x1082;
	s9 =	sld [smem:$0x3FB3]  }
0x2f: {  	lr =	sadd.s32 s0, s3;
	s0 =	sld [smem:$0x3FAA]  }
0x30: {  	s3 =	sld [smem:$0x3FAD]  }
0x31: {  	[smem:$0x3FB6] =	sst s10  }
0x32: {  	s10 =	sld [smem:$0x3FB4];
	_ =	sdelay $0x3  }
0x33: {  	p0 =	seq.s32 s10, $0x1;
	s10 =	sld [smem:$0x3FB6];
	_ =	sdelay $0x3  }
0x34: {  	[smem:$0x3FB6] =	sst s10  }
0x35: {  	s10 =	sld [smem:$0x3FB5];
	_ =	sdelay $0x3  }
0x36: {  	p1 =	seq.s32 s10, $0x1;
	s10 =	sld [smem:$0x3FB6];
	_ =	sdelay $0x3  }
0x37: {  	[smem:$0x3FB6] =	sst s10  }
0x38: {  	s10 =	sld [smem:$0x3FB7]  }
0x39: {  	_ = 	snop;
	(pc) =	sbr.ind lr, $3  }
0x3a: {  	_ = 	snop  }
0x3b: {  	_ = 	snop  }
0x3c: {  	p2 =	seq.s32 s10, $0x1;
	s10 =	sld [smem:$0x3FB6]  }
0x3d: {  	_ =	shalt  }
0x3e: {  	_ =	shalt  }
0x3f: {  	_ =	shalt  }
0x40: {  	_ =	shalt  }
0x41: {  	_ =	shalt  }
0x42: {  	_ =	shalt  }
0x43: {  	_ =	shalt  }
0x44: {  	_ =	shalt  }
0x45: {  	_ =	shalt  }
0x46: {  	_ =	shalt  }
0x47: {  	_ =	shalt  }
0x48: {  	_ =	shalt  }
0x49: {  	_ =	shalt  }
0x4a: {  	_ =	shalt  }
0x4b: {  	_ =	shalt  }
0x4c: {  	_ =	shalt  }
0x4d: {  	_ =	shalt  }
0x4e: {  	_ =	shalt  }
0x4f: {  	_ =	shalt  }
0x50: {  	_ =	shalt  }
0x51: {  	_ =	shalt  }
0x52: {  	_ =	shalt  }
0x53: {  	_ =	shalt  }
0x54: {  	_ =	shalt  }
0x55: {  	_ =	shalt  }
0x56: {  	_ =	shalt  }
0x57: {  	_ =	shalt  }
0x58: {  	_ =	shalt  }
0x59: {  	_ =	shalt  }
0x5a: {  	_ =	shalt  }
0x5b: {  	_ =	shalt  }
0x5c: {  	_ =	shalt  }
0x5d: {  	_ =	shalt  }
0x5e: {  	_ =	shalt  }
0x5f: {  	_ =	shalt  }
0x60: {  	_ =	shalt  }
0x61: {  	_ =	shalt  }
0x62: {  	_ =	shalt  }
0x63: {  	_ =	shalt  }
0x64: {  	_ =	shalt  }
0x65: {  	_ =	shalt  }
0x66: {  	_ =	shalt  }
0x67: {  	_ =	shalt  }
0x68: {  	_ =	shalt  }
0x69: {  	_ =	shalt  }
0x6a: {  	_ =	shalt  }
0x6b: {  	_ =	shalt  }
0x6c: {  	_ =	shalt  }
0x6d: {  	_ =	shalt  }
0x6e: {  	_ =	shalt  }
0x6f: {  	_ =	shalt  }
0x70: {  	_ =	shalt  }
0x71: {  	_ =	shalt  }
0x72: {  	_ =	shalt  }
0x73: {  	_ =	shalt  }
0x74: {  	_ =	shalt  }
0x75: {  	_ =	shalt  }
0x76: {  	_ =	shalt  }
0x77: {  	_ =	shalt  }
0x78: {  	_ =	shalt  }
0x79: {  	_ =	shalt  }
0x7a: {  	_ =	shalt  }
0x7b: {  	_ =	shalt  }
0x7c: {  	_ =	shalt  }
0x7d: {  	_ =	shalt  }
0x7e: {  	_ =	shalt  }
0x7f: {  	_ =	shalt  }
0x80: {  	_ =	shalt  }
0x81: {  	_ =	shalt  }
0x82: {  	_ =	shalt  }
0x83: {  	_ =	shalt  }
0x84: {  	_ =	shalt  }
0x85: {  	_ =	shalt  }
0x86: {  	_ =	shalt  }
0x87: {  	_ =	shalt  }
.Lfunc_end0:
.L_simem_size_0:
called_computation_lowered:
.L_overlay_start_0:
0x88: {  	s2 =	sld [smem:$0x3FD9]  }
0x89: {  	s3 =	sld [smem:$0x3FFE];
	_ =	sdelay $0x1  }
0x8a: {  	s1 =	srdreg.scid  }
0x8b: {  	s0 =	sand.u32 $0x1, s1  }
0x8c: {  	s17 =	sshll.u32 s0, $0xA;
	s2 =	sadd.s32 s3, s2  }
0x8d: {  	s2 =	sadd.s32 s2, s17  }
0x8e: {  	[smem:$0x3FC2] =	sst s2  }
0x8f: {  	_ = 	snop  }
0x90: {  	s2 =	sld [smem:$0x3FC8];
	(tm) =	ssettm $0x1  }
0x91: {  	s18 =	sld [smem:$0x3FFB];
	_ =	sdelay $0x3  }
0x92: {  	_ =	strace s18  }
0x93: {  	s3 =	sld [smem:$0x3FFC];
	_ =	sdelay $0x3  }
0x94: {  	_ =	strace s3  }
0x95: {  	s3 =	sld [smem:$0x3FFD];
	_ =	sdelay $0x3  }
0x96: {  	_ =	strace s3  }
0x97: {  	_ =	strace $0x8FFFFFFF  }
0x98: {  	s19 =	sld [smem:$0x3FDB];
	_ =	sdelay $0x1  }
0x99: {  	s4 =	simm.s32 $_scs_section_size  }
0x9a: {  	s5 =	simm.s32 $_size__tile_overlayer_lowered;
	s6 =	simm.s32 $_tile_overlayer_lowered  }
0x9b: {  	s22 =	simm.s32 $0x1BFF;
	s21 =	sshll.u32 s6, $0x1;
	s3 =	sadd.s32 s4, s19  }
0x9c: {  	s7 =	simm.s32 $0x0;
	s20 =	sshll.u32 s5, $0x1;
	s5 =	sadd.s32 s21, s3  }
0x9d: {  	[timem:s7], [sflag:s22] =	dma.local [hbm:s5], s20  }
0x9e: {  	_ =	swait.ge [sflag:s22], s20  }
0x9f: {  	s4 =	ssub.s32 $0x0, s20;
	[sflag:s22] =	ssyncset.done $0x0  }
0xa0: {  	[sflag:s22] =	ssyncadd.s32 s4;
	_ =	sdelay $0x1  }
0xa1: {  	s23 =	simm.s32 $0x1B8B  }
0xa2: {  	_ =	swait.ge [sflag:s23], $0x1  }
0xa3: {  	[sflag:s23] =	ssyncset.done $0x0  }
0xa4: {  	s25 =	simm.s32 $0x1B8E;
	s24 =	sld [smem:$0x3FFE];
	[sflag:s23] =	ssyncadd.s32 $0xFFFFFFFF  }
0xa5: {  	s26 =	simm.s32 $execute0_lowered;
	[smem:$0x3FD2] =	sst s25  }
0xa6: {  	s5 =	sshll.u32 s26, $0x1;
	_ =	strace $0x80000046;
	[dreg:$0x1] =	wrdreg $0xFFFFFFFF  }
0xa7: {  	s28 =	simm.s32 $_size_execute0_lowered;
	s3 =	sadd.s32 s3, s5;
	[dreg:$0x0] =	wrdreg $0x0  }
0xa8: {  	s5 =	sshll.u32 s28, $0x1;
	[dreg:$0x2] =	wrdreg s3  }
0xa9: {  	[dreg:$0x3] =	wrdreg s5  }
0xaa: {  	[dreg:$0x4] =	wrdreg $0xC0  }
0xab: {  	_ =	task [dreg:s7], $0x5FFFF  }
0xac: {  	[dreg:$0x1] =	wrdreg $0xFFFFFFFF  }
0xad: {  	[dreg:$0x0] =	wrdreg $0x60  }
0xae: {  	[dreg:$0x2] =	wrdreg s2  }
0xaf: {  	[dreg:$0x3] =	wrdreg s24  }
0xb0: {  	[dreg:$0x4] =	wrdreg $0x9  }
0xb1: {  	_ =	task.clear_ibuf [dreg:s7], $0x5FFFF;
	_ =	strace $0x90000046  }
0xb2: {  	s29 =	simm.s32 $0x9;
	_ =	strace $0x80000048  }
0xb3: {  	_ =	swait.ge [sflag:s29], $0x1  }
0xb4: {  	[sflag:s29] =	ssyncadd.s32 $0xFFFFFFFF  }
0xb5: {  	_ =	strace $0x90000048  }
0xb6: {  	_ =	sfence  }
0xb7: {  	s30 =	sld [smem:$0x0];
	_ =	sdelay $0x2  }
0xb8: {  	s31 =	sshll.u32 s1, $0xD;
	s1 =	sshrl.u32 s1, $0x2  }
0xb9: {  	s3 =	sand.u32 $0x4000, s31;
	s1 =	sadd.s32 s1, s30  }
0xba: {  	s0 =	sor.u32 s3, s0;
	s1 =	sshll.u32 s1, $0x11  }
0xbb: {  	s0 =	sor.u32 s1, s0  }
0xbc: {  	s0 =	sadd.s32 $0x8F2B, s0  }
0xbd: {  	[sflag:s0] =	ssyncadd.remote.s32 $0x1  }
0xbe: {  	_ =	sfence.sel $0xFFFF  }
0xbf: {  	[dreg:$0x0] =	wrdreg $0xFFFFFFFF;
	(pc) =	sbr.abs _section_cstart, $3  }
0xc0: {  	[dreg:$0x1] =	wrdreg $0xFFFFFFFF  }
0xc1: {  	_ =	task.clear_ibuf [dreg:s7], $0x2FFFF;
	_ =	strace $0x9FFFFFFF  }
0xc2: {  	(tm) =	ssettm $0x7FFFFFFF  }
0xc3: {  	_ =	shalt  }
tec
execute0_lowered:
.L_overlay_start_1:
0x0: {  	(tag) =	ssettag $0x1  }
0x1: {  	s1 =	srdreg.scid  }
0x2: {  	s3 =	rddreg [dreg:$0x0];
	s0 =	stileid.u32;
	s5 =	sand.u32 $0x1, s1  }
0x3: {  	s7 =	rddreg [dreg:$0x1];
	s4 =	sshll.u32 s0, $0xA;
	s6 =	sshll.u32 s5, $0x9  }
0x4: {  	s2 =	simm.s32 $0x0;
	s1 =	rddreg [dreg:$0x2];
	s6 =	sor.u32 s6, s4  }
0x5: {  	[smem:$0x7FF] =	sst s2;
	s4 =	sshrl.u32 s6, $0x3  }
0x6: {  	_ =	strace $0x80000047;
	s14 =	sadd.s32 s3, s4;
	s3 =	simm.s32 $0x2  }
0x7: {  	[tilespmem:s2], [sflag:$0x2] =	stream.linear.gather [hbm4b:s14+s2], $0x80, $0x38;
	[tilespmem:$0x10200] =	vst v63  }
0x8: {  	s10 =	simm.s32 $0x180;
	s5 =	ssub.s32 $0x2, s5;
	_ =	swait.ge [sflag:s3], $0x80  }
0x9: {  	s31 =	sshrl.u32 s5, $0x1;
	s8 =	sshll.u32 s6, $0x4;
	[sflag:s3] =	ssyncset.done $0x0  }
0xa: {  	s6 =	simm.s32 $0x80;
	s15 =	sadd.s32 $0x10, s14;
	[sflag:s3] =	ssyncadd.s32 $0xFFFFFF80  }
0xb: {  	[tilespmem:s6], [sflag:$0x2] =	stream.linear.gather [hbm4b:s15+s2], $0x80, $0x38;
	[tilespmem:$0x10200] =	vst v63  }
0xc: {  	s9 =	ssub.s32 s5, s31;
	s4 =	sadd.s32 $0x1000, s7;
	_ =	swait.ge [sflag:s3], $0x80  }
0xd: {  	s7 =	sadd.s32 s8, s7;
	s8 =	simm.s32 $0x100;
	[sflag:s3] =	ssyncset.done $0x0  }
0xe: {  	s18 =	smax.u32 s9, $0x1;
	s16 =	sadd.s32 $0x20, s14;
	[sflag:s3] =	ssyncadd.s32 $0xFFFFFF80  }
0xf: {  	[tilespmem:s8], [sflag:$0x2] =	stream.linear.gather [hbm4b:s16+s2], $0x80, $0x38;
	[tilespmem:$0x10200] =	vst v63  }
0x10: {  	s11 =	simm.s32 $0x4200;
	p0 =	sne.s32 s18, $0x1;
	_ =	swait.ge [sflag:s3], $0x80  }
.Ltmp0:
0x11: {  	s12 =	simm.s32 $0x8200;
	[sflag:s3] =	ssyncset.done $0x0;
	(pc) =	sbr.rel @!p0 .LBB2_2-.Ltmp0, $4  }
0x12: {  	s13 =	simm.s32 $0xC200;
	s17 =	sadd.s32 $0x30, s14;
	[sflag:s3] =	ssyncadd.s32 $0xFFFFFF80  }
0x13: {  	[tilespmem:s10], [sflag:$0x2] =	stream.linear.gather [hbm4b:s17+s2], $0x80, $0x38;
	[tilespmem:$0x10200] =	vst v63  }
0x14: {  	s9 =	simm.s32 $0x1;
	s5 =	sadd.s32 $0xC9000, s7;
	_ =	swait.ge [sflag:s3], $0x80  }
0x15: {  	s7 =	simm.s32 $0x200;
	s18 =	sadd.s32 $0xFFFFFFFF, s18;
	[sflag:s3] =	ssyncset.done $0x0  }
.LBB2_1:
0x16: {  	p0 =	sne.s32 s18, $0x1;
	s18 =	sadd.s32 $0xFFFFFFFF, s18;
	[sflag:s3] =	ssyncadd.s32 $0xFFFFFF80  }
0x17: {  	v0 =	vld [tilespmem:$0x160]  }
0x18: {  	v1 =	vld [tilespmem:$0x170]  }
0x19: {  	v2 =	vld [tilespmem:$0x1E0]  }
0x1a: {  	v3 =	vld [tilespmem:$0x1D0]  }
0x1b: {  	v4 =	vld [tilespmem:$0x1C0]  }
0x1c: {  	vm0 =	vgt.s32 v0, $0xC7FF;
	v5 =	vadd.s32 $0xFFFF3800, v0;
	v6 =	vld [tilespmem:$0x1B0]  }
0x1d: {  	v7 =	vld [tilespmem:$0x40];
	v0 =	vsel vm0, v5, v0;
	vm0 =	vgt.s32 v1, $0xC7FF;
	v5 =	vadd.s32 $0xFFFF3800, v1  }
0x1e: {  	v8 =	vld [tilespmem:$0x80];
	v1 =	vsel vm0, v5, v1;
	vm0 =	vgt.s32 v2, $0xC7FF;
	v5 =	vadd.s32 $0xFFFF3800, v2  }
0x1f: {  	v9 =	vld [tilespmem:$0x50];
	[tilespmem:$0x170] =	vst v1;
	vm1 =	vgt.s32 v3, $0xC7FF;
	v1 =	vadd.s32 $0xFFFF3800, v3;
	v2 =	vsel vm0, v5, v2  }
0x20: {  	v5 =	vld [tilespmem:$0x30];
	vm0 =	vgt.s32 v4, $0xC7FF;
	v10 =	vadd.s32 $0xFFFF3800, v4;
	v1 =	vsel vm1, v1, v3;
	[tilespmem:$0x1E0] =	vst v2  }
0x21: {  	v2 =	vld [tilespmem:$0x70];
	vm1 =	vgt.s32 v6, $0xC7FF;
	v3 =	vadd.s32 $0xFFFF3800, v6;
	v4 =	vsel vm0, v10, v4;
	[tilespmem:$0x1D0] =	vst v1  }
0x22: {  	v1 =	vld [tilespmem:$0x20];
	vm0 =	vgt.s32 v7, $0xC7FF;
	v10 =	vadd.s32 $0xFFFF3800, v7;
	v3 =	vsel vm1, v3, v6  }
0x23: {  	v6 =	vsel vm0, v10, v7;
	v7 =	vld [tilespmem:$0x60];
	vm0 =	vgt.s32 v8, $0xC7FF;
	v10 =	vadd.s32 $0xFFFF3800, v8;
	[tilespmem:$0x1C0] =	vst v4  }
0x24: {  	v4 =	vld [tilespmem:$0x10];
	vm1 =	vgt.s32 v9, $0xC7FF;
	v11 =	vadd.s32 $0xFFFF3800, v9;
	v8 =	vsel vm0, v10, v8  }
0x25: {  	v10 =	vld [tilespmem:$0x0];
	vm0 =	vgt.s32 v5, $0xC7FF;
	v12 =	vadd.s32 $0xFFFF3800, v5;
	v9 =	vsel vm1, v11, v9;
	[tilespmem:$0x80] =	vst v8  }
0x26: {  	v5 =	vsel vm0, v12, v5;
	vm0 =	vgt.s32 v2, $0xC7FF;
	v8 =	vadd.s32 $0xFFFF3800, v2;
	v11 =	vld [tilespmem:$0xA0];
	[tilespmem:$0x1B0] =	vst v3  }
0x27: {  	vm1 =	vgt.s32 v1, $0xC7FF;
	v3 =	vadd.s32 $0xFFFF3800, v1;
	[tilespmem:$0x50] =	vst v9;
	v2 =	vsel vm0, v8, v2;
	v8 =	vld [tilespmem:$0x90]  }
0x28: {  	v1 =	vsel vm1, v3, v1;
	[tilespmem:$0x40] =	vst v6;
	vm0 =	vgt.s32 v7, $0xC7FF;
	v3 =	vadd.s32 $0xFFFF3800, v7;
	v6 =	vld [tilespmem:$0x1F0]  }
0x29: {  	vm1 =	vgt.s32 v4, $0xC7FF;
	v9 =	vadd.s32 $0xFFFF3800, v4;
	v3 =	vsel vm0, v3, v7;
	v7 =	vld [tilespmem:$0xE0];
	[tilespmem:$0x160] =	vst v0  }
0x2a: {  	vm0 =	vgt.s32 v10, $0xC7FF;
	v0 =	vadd.s32 $0xFFFF3800, v10;
	v4 =	vsel vm1, v9, v4;
	[tilespmem:$0x60] =	vst v3;
	v3 =	vld [tilespmem:$0xB0]  }
0x2b: {  	v0 =	vsel vm0, v0, v10;
	[tilespmem:$0x70] =	vst v2;
	vm0 =	vgt.s32 v11, $0xC7FF;
	v2 =	vadd.s32 $0xFFFF3800, v11;
	v9 =	vld [tilespmem:$0xF0]  }
0x2c: {  	[tilespmem:$0x10] =	vst v4;
	vm1 =	vgt.s32 v8, $0xC7FF;
	v4 =	vadd.s32 $0xFFFF3800, v8;
	v2 =	vsel vm0, v2, v11;
	v10 =	vld [tilespmem:$0x110]  }
0x2d: {  	v4 =	vsel vm1, v4, v8;
	[tilespmem:$0xA0] =	vst v2;
	v2 =	vld [tilespmem:$0xD0];
	vm0 =	vgt.s32 v6, $0xC7FF;
	v8 =	vadd.s32 $0xFFFF3800, v6  }
0x2e: {  	[tilespmem:$0x30] =	vst v5;
	vm1 =	vgt.s32 v7, $0xC7FF;
	v5 =	vadd.s32 $0xFFFF3800, v7;
	v11 =	vld [tilespmem:$0x150];
	v6 =	vsel vm0, v8, v6  }
0x2f: {  	vm0 =	vgt.s32 v3, $0xC7FF;
	v8 =	vadd.s32 $0xFFFF3800, v3;
	v5 =	vsel vm1, v5, v7;
	v7 =	vld [tilespmem:$0x100];
	[tilespmem:$0x1F0] =	vst v6  }
0x30: {  	[tilespmem:$0x90] =	vst v4;
	v3 =	vsel vm0, v8, v3;
	vm0 =	vgt.s32 v9, $0xC7FF;
	v4 =	vadd.s32 $0xFFFF3800, v9;
	v6 =	vld [tilespmem:$0x140]  }
0x31: {  	[tilespmem:$0xE0] =	vst v5;
	v4 =	vsel vm0, v4, v9;
	v5 =	vld [tilespmem:$0x130]  }
0x32: {  	v8 =	vadd.s32 $0xFFFF3800, v10;
	[tilespmem:$0x20] =	vst v1;
	vm0 =	vgt.s32 v2, $0xC7FF;
	v1 =	vadd.s32 $0xFFFF3800, v2;
	v9 =	vld [tilespmem:$0x120]  }
0x33: {  	v1 =	vsel vm0, v1, v2;
	[tilespmem:$0xF0] =	vst v4;
	vm0 =	vgt.s32 v11, $0xC7FF;
	v2 =	vadd.s32 $0xFFFF3800, v11  }
0x34: {  	[tilespmem:$0xD0] =	vst v1;
	vm1 =	vgt.s32 v7, $0xC7FF;
	v1 =	vadd.s32 $0xFFFF3800, v7;
	v2 =	vsel vm0, v2, v11  }
0x35: {  	v4 =	vld [tilespmem:$0xC0];
	v1 =	vsel vm1, v1, v7;
	vm0 =	vgt.s32 v6, $0xC7FF;
	v7 =	vadd.s32 $0xFFFF3800, v6;
	[tilespmem:$0x150] =	vst v2  }
0x36: {  	[tilespmem:$0xB0] =	vst v3;
	vm1 =	vgt.s32 v5, $0xC7FF;
	v2 =	vadd.s32 $0xFFFF3800, v5;
	v3 =	vsel vm0, v7, v6;
	v6 =	vld [tilespmem:$0x1A0]  }
0x37: {  	vm0 =	vgt.s32 v10, $0xC7FF;
	v7 =	vadd.s32 $0xFFFF3800, v9;
	v2 =	vsel vm1, v2, v5;
	[tilespmem:$0x140] =	vst v3;
	v3 =	vld [tilespmem:$0x190]  }
0x38: {  	v5 =	vsel vm0, v8, v10;
	vm0 =	vgt.s32 v9, $0xC7FF;
	[tilespmem:$0x130] =	vst v2;
	v2 =	vld [tilespmem:$0x180]  }
0x39: {  	[tilespmem:$0x110] =	vst v5;
	v5 =	vsel vm0, v7, v9  }
0x3a: {  	[tilespmem:$0x0] =	vst v0;
	vm0 =	vgt.s32 v4, $0xC7FF;
	v0 =	vadd.s32 $0xFFFF3800, v4  }
0x3b: {  	v0 =	vsel vm0, v0, v4;
	[tilespmem:$0x120] =	vst v5;
	vm0 =	vgt.s32 v6, $0xC7FF;
	v4 =	vadd.s32 $0xFFFF3800, v6  }
0x3c: {  	[tilespmem:$0xC0] =	vst v0;
	vm1 =	vgt.s32 v3, $0xC7FF;
	v0 =	vadd.s32 $0xFFFF3800, v3;
	v4 =	vsel vm0, v4, v6  }
0x3d: {  	vm0 =	vgt.s32 v2, $0xC7FF;
	v5 =	vadd.s32 $0xFFFF3800, v2;
	v0 =	vsel vm1, v0, v3;
	[tilespmem:$0x1A0] =	vst v4  }
0x3e: {  	v2 =	vsel vm0, v5, v2;
	[tilespmem:$0x190] =	vst v0  }
0x3f: {  	[tilespmem:$0x180] =	vst v2  }
0x40: {  	[tilespmem:$0x100] =	vst v1  }
0x41: {  	[tilespmem:s7], [sflag:$0x1] =	stream.indirect.gather [hbm4b:s4+s6], $0x80, s2, s6, $0xb8;
	[tilespmem:$0x10200] =	vst v63  }
0x42: {  	_ = 	snop  }
0x43: {  	[tilespmem:s11], [sflag:$0x1] =	stream.indirect.gather [hbm4b:s4+s6], $0x80, s6, s6, $0xb8;
	[tilespmem:$0x10200] =	vst v63  }
0x44: {  	_ = 	snop  }
0x45: {  	[tilespmem:s12], [sflag:$0x1] =	stream.indirect.gather [hbm4b:s4+s6], $0x80, s8, s6, $0xb8;
	[tilespmem:$0x10200] =	vst v63  }
0x46: {  	_ = 	snop  }
0x47: {  	[tilespmem:s13], [sflag:$0x1] =	stream.indirect.gather [hbm4b:s4+s6], $0x80, s10, s6, $0xb8;
	[tilespmem:$0x10200] =	vst v63  }
0x48: {  	_ =	swait.ge [sflag:s9], $0x4000  }
0x49: {  	[sflag:s9] =	ssyncset.done $0x0  }
0x4a: {  	[sflag:s9] =	ssyncadd.s32 $0xFFFFC000  }
0x4b: {  	_ =	swait.ge [sflag:s9], $0x4000  }
0x4c: {  	[sflag:s9] =	ssyncset.done $0x0  }
0x4d: {  	[sflag:s9] =	ssyncadd.s32 $0xFFFFC000  }
0x4e: {  	_ =	swait.ge [sflag:s9], $0x4000  }
0x4f: {  	[sflag:s9] =	ssyncset.done $0x0  }
0x50: {  	[sflag:s9] =	ssyncadd.s32 $0xFFFFC000  }
0x51: {  	_ =	swait.ge [sflag:s9], $0x4000  }
0x52: {  	[sflag:s9] =	ssyncset.done $0x0  }
0x53: {  	[sflag:s9] =	ssyncadd.s32 $0xFFFFC000  }
0x54: {  	[hbm4b:s5+s2] =	stream.linear.scatter [tilespmem:s7], [sflag:$0x2], $0x10000, $0x38;
	[tilespmem:$0x10200] =	vst v63  }
0x55: {  	_ =	swait.ge [sflag:s3], $0x10000  }
0x56: {  	[sflag:s3] =	ssyncset.done $0x0  }
0x57: {  	[sflag:s3] =	ssyncadd.s32 $0xFFFF0000  }
0x58: {  	[tilespmem:s2], [sflag:$0x2] =	stream.linear.gather [hbm4b:s14+s2], $0x80, $0x38;
	[tilespmem:$0x10200] =	vst v63  }
0x59: {  	_ =	swait.ge [sflag:s3], $0x80  }
0x5a: {  	[sflag:s3] =	ssyncset.done $0x0  }
0x5b: {  	[sflag:s3] =	ssyncadd.s32 $0xFFFFFF80  }
0x5c: {  	[tilespmem:s6], [sflag:$0x2] =	stream.linear.gather [hbm4b:s15+s2], $0x80, $0x38;
	[tilespmem:$0x10200] =	vst v63  }
0x5d: {  	_ =	swait.ge [sflag:s3], $0x80  }
0x5e: {  	[sflag:s3] =	ssyncset.done $0x0  }
0x5f: {  	[sflag:s3] =	ssyncadd.s32 $0xFFFFFF80  }
0x60: {  	[tilespmem:s8], [sflag:$0x2] =	stream.linear.gather [hbm4b:s16+s2], $0x80, $0x38;
	[tilespmem:$0x10200] =	vst v63  }
0x61: {  	_ =	swait.ge [sflag:s3], $0x80  }
.Ltmp1:
0x62: {  	[sflag:s3] =	ssyncset.done $0x0;
	(pc) =	sbr.rel @p0 .LBB2_1-.Ltmp1, $4  }
0x63: {  	[sflag:s3] =	ssyncadd.s32 $0xFFFFFF80  }
0x64: {  	[tilespmem:s10], [sflag:$0x2] =	stream.linear.gather [hbm4b:s17+s2], $0x80, $0x38;
	[tilespmem:$0x10200] =	vst v63  }
0x65: {  	_ =	swait.ge [sflag:s3], $0x80  }
0x66: {  	[sflag:s3] =	ssyncset.done $0x0  }
.LBB2_2:
0x67: {  	[sflag:s3] =	ssyncadd.s32 $0xFFFFFF80  }
0x68: {  	v0 =	vld [tilespmem:$0x170]  }
0x69: {  	v1 =	vld [tilespmem:$0x1E0]  }
0x6a: {  	v3 =	vld [tilespmem:$0x1C0]  }
0x6b: {  	v4 =	vld [tilespmem:$0x80]  }
0x6c: {  	v5 =	vld [tilespmem:$0x1B0]  }
0x6d: {  	v7 =	vld [tilespmem:$0x50];
	vm0 =	vgt.s32 v0, $0xC7FF;
	v6 =	vadd.s32 $0xFFFF3800, v0  }
0x6e: {  	v59 =	vld [tilespmem:$0x70];
	vm10 =	vgt.s32 v1, $0xC7FF;
	v53 =	vadd.s32 $0xFFFF3800, v1;
	v0 =	vsel vm0, v6, v0  }
0x6f: {  	v15 =	vld [tilespmem:$0x30];
	vm11 =	vgt.s32 v3, $0xC7FF;
	v9 =	vadd.s32 $0xFFFF3800, v3;
	v1 =	vsel vm10, v53, v1;
	[tilespmem:$0x170] =	vst v0  }
0x70: {  	v2 =	vld [tilespmem:$0x1D0];
	vm12 =	vgt.s32 v4, $0xC7FF;
	v58 =	vadd.s32 $0xFFFF3800, v4;
	v56 =	vsel vm11, v9, v3;
	[tilespmem:$0x1E0] =	vst v1  }
0x71: {  	v8 =	vld [tilespmem:$0x40];
	vm13 =	vgt.s32 v5, $0xC7FF;
	v60 =	vadd.s32 $0xFFFF3800, v5;
	v61 =	vsel vm12, v58, v4;
	[tilespmem:$0x1C0] =	vst v56  }
0x72: {  	v55 =	vld [tilespmem:$0x160];
	vm14 =	vgt.s32 v7, $0xC7FF;
	v11 =	vadd.s32 $0xFFFF3800, v7;
	v62 =	vsel vm13, v60, v5;
	[tilespmem:$0x80] =	vst v61  }
0x73: {  	v17 =	vld [tilespmem:$0x1F0];
	vm6 =	vgt.s32 v59, $0xC7FF;
	v18 =	vadd.s32 $0xFFFF3800, v59;
	v5 =	vsel vm14, v11, v7;
	[tilespmem:$0x1B0] =	vst v62  }
0x74: {  	v19 =	vld [tilespmem:$0x90];
	vm9 =	vgt.s32 v15, $0xC7FF;
	v25 =	vadd.s32 $0xFFFF3800, v15;
	v20 =	vsel vm6, v18, v59;
	[tilespmem:$0x50] =	vst v5  }
0x75: {  	v22 =	vld [tilespmem:$0xE0];
	vm1 =	vgt.s32 v2, $0xC7FF;
	v54 =	vadd.s32 $0xFFFF3800, v2;
	v27 =	vsel vm9, v25, v15;
	[tilespmem:$0x70] =	vst v20  }
0x76: {  	v35 =	vld [tilespmem:$0x140];
	vm15 =	vgt.s32 v8, $0xC7FF;
	v12 =	vadd.s32 $0xFFFF3800, v8;
	v0 =	vsel vm1, v54, v2;
	[tilespmem:$0x30] =	vst v27  }
0x77: {  	v57 =	vld [tilespmem:$0x60];
	vm4 =	vgt.s32 v55, $0xC7FF;
	v14 =	vadd.s32 $0xFFFF3800, v55;
	v1 =	vsel vm15, v12, v8;
	[tilespmem:$0x1D0] =	vst v0  }
0x78: {  	v63 =	vld [tilespmem:$0x10];
	v29 =	vadd.s32 $0xFFFF3800, v17;
	vm10 =	vgt.s32 v17, $0xC7FF;
	v2 =	vsel vm4, v14, v55;
	[tilespmem:$0x40] =	vst v1  }
0x79: {  	v13 =	vld [tilespmem:$0xA0];
	v30 =	vadd.s32 $0xFFFF3800, v19;
	vm11 =	vgt.s32 v19, $0xC7FF;
	v4 =	vsel vm10, v29, v17;
	[tilespmem:$0x160] =	vst v2  }
0x7a: {  	v26 =	vld [tilespmem:$0xF0];
	v33 =	vadd.s32 $0xFFFF3800, v22;
	vm12 =	vgt.s32 v22, $0xC7FF;
	v7 =	vsel vm11, v30, v19;
	[tilespmem:$0x1F0] =	vst v4  }
0x7b: {  	v31 =	vld [tilespmem:$0x150];
	v47 =	vadd.s32 $0xFFFF3800, v35;
	vm6 =	vgt.s32 v35, $0xC7FF;
	v3 =	vsel vm12, v33, v22;
	[tilespmem:$0x90] =	vst v7  }
0x7c: {  	v40 =	vld [tilespmem:$0x0];
	vm5 =	vgt.s32 v57, $0xC7FF;
	v16 =	vadd.s32 $0xFFFF3800, v57;
	v49 =	vsel vm6, v47, v35;
	[tilespmem:$0xE0] =	vst v3  }
0x7d: {  	v43 =	vld [tilespmem:$0x120];
	vm7 =	vgt.s32 v63, $0xC7FF;
	v21 =	vadd.s32 $0xFFFF3800, v63;
	v0 =	vsel vm5, v16, v57;
	[tilespmem:$0x140] =	vst v49  }
0x7e: {  	v23 =	vld [tilespmem:$0x20];
	vm8 =	vgt.s32 v13, $0xC7FF;
	v24 =	vadd.s32 $0xFFFF3800, v13;
	v2 =	vsel vm7, v21, v63;
	[tilespmem:$0x60] =	vst v0  }
0x7f: {  	v32 =	vld [tilespmem:$0xB0];
	v36 =	vadd.s32 $0xFFFF3800, v26;
	vm14 =	vgt.s32 v26, $0xC7FF;
	v1 =	vsel vm8, v24, v13;
	[tilespmem:$0x10] =	vst v2  }
0x80: {  	v38 =	vld [tilespmem:$0x110];
	v41 =	vadd.s32 $0xFFFF3800, v31;
	vm4 =	vgt.s32 v31, $0xC7FF;
	v4 =	vsel vm14, v36, v26;
	[tilespmem:$0xA0] =	vst v1  }
0x81: {  	v46 =	vld [tilespmem:$0xC0];
	vm9 =	vgt.s32 v40, $0xC7FF;
	v53 =	vadd.s32 $0xFFFF3800, v40;
	v44 =	vsel vm4, v41, v31;
	[tilespmem:$0xF0] =	vst v4  }
0x82: {  	v50 =	vld [tilespmem:$0x1A0];
	v56 =	vadd.s32 $0xFFFF3800, v43;
	vm10 =	vgt.s32 v43, $0xC7FF;
	v3 =	vsel vm9, v53, v40;
	[tilespmem:$0x150] =	vst v44  }
0x83: {  	v28 =	vld [tilespmem:$0xD0];
	v34 =	vadd.s32 $0xFFFF3800, v23;
	vm13 =	vgt.s32 v23, $0xC7FF;
	v57 =	vsel vm10, v56, v43;
	[tilespmem:$0x0] =	vst v3  }
0x84: {  	v52 =	vld [tilespmem:$0x190];
	v42 =	vadd.s32 $0xFFFF3800, v32;
	vm5 =	vgt.s32 v32, $0xC7FF;
	v0 =	vsel vm13, v34, v23;
	[tilespmem:$0x120] =	vst v57  }
0x85: {  	v37 =	vld [tilespmem:$0x130];
	v51 =	vadd.s32 $0xFFFF3800, v38;
	vm8 =	vgt.s32 v38, $0xC7FF;
	v45 =	vsel vm5, v42, v32;
	[tilespmem:$0x20] =	vst v0  }
0x86: {  	v58 =	vadd.s32 $0xFFFF3800, v46;
	v54 =	vld [tilespmem:$0x180];
	vm11 =	vgt.s32 v46, $0xC7FF;
	v5 =	vsel vm8, v51, v38;
	[tilespmem:$0xB0] =	vst v45  }
0x87: {  	v59 =	vadd.s32 $0xFFFF3800, v50;
	v55 =	vld [tilespmem:$0x100];
	vm12 =	vgt.s32 v50, $0xC7FF;
	v2 =	vsel vm11, v58, v46;
	[tilespmem:$0x110] =	vst v5  }
0x88: {  	v39 =	vadd.s32 $0xFFFF3800, v28;
	vm15 =	vgt.s32 v28, $0xC7FF;
	v3 =	vsel vm12, v59, v50;
	[tilespmem:$0xC0] =	vst v2  }
0x89: {  	v60 =	vadd.s32 $0xFFFF3800, v52;
	vm13 =	vgt.s32 v52, $0xC7FF;
	v0 =	vsel vm15, v39, v28;
	[tilespmem:$0x1A0] =	vst v3  }
0x8a: {  	v48 =	vadd.s32 $0xFFFF3800, v37;
	vm7 =	vgt.s32 v37, $0xC7FF;
	v1 =	vsel vm13, v60, v52;
	[tilespmem:$0xD0] =	vst v0  }
0x8b: {  	v0 =	vsel vm7, v48, v37;
	[tilespmem:$0x190] =	vst v1;
	vm14 =	vgt.s32 v54, $0xC7FF;
	v61 =	vadd.s32 $0xFFFF3800, v54  }
0x8c: {  	[tilespmem:$0x130] =	vst v0;
	vm15 =	vgt.s32 v55, $0xC7FF;
	v62 =	vadd.s32 $0xFFFF3800, v55;
	v0 =	vsel vm14, v61, v54  }
0x8d: {  	v63 =	vsel vm15, v62, v55;
	[tilespmem:$0x180] =	vst v0  }
0x8e: {  	[tilespmem:$0x100] =	vst v63  }
0x8f: {  	[tilespmem:s7], [sflag:$0x1] =	stream.indirect.gather [hbm4b:s4+s6], $0x80, s2, s6, $0xb8;
	[tilespmem:$0x10200] =	vst v63  }
0x90: {  	_ = 	snop  }
0x91: {  	[tilespmem:s11], [sflag:$0x1] =	stream.indirect.gather [hbm4b:s4+s6], $0x80, s6, s6, $0xb8;
	[tilespmem:$0x10200] =	vst v63  }
0x92: {  	_ = 	snop  }
0x93: {  	[tilespmem:s12], [sflag:$0x1] =	stream.indirect.gather [hbm4b:s4+s6], $0x80, s8, s6, $0xb8;
	[tilespmem:$0x10200] =	vst v63  }
0x94: {  	_ = 	snop  }
0x95: {  	[tilespmem:s13], [sflag:$0x1] =	stream.indirect.gather [hbm4b:s4+s6], $0x80, s10, s6, $0xb8;
	[tilespmem:$0x10200] =	vst v63  }
0x96: {  	_ =	swait.ge [sflag:s9], $0x4000  }
0x97: {  	[sflag:s9] =	ssyncset.done $0x0  }
0x98: {  	[sflag:s9] =	ssyncadd.s32 $0xFFFFC000  }
0x99: {  	_ =	swait.ge [sflag:s9], $0x4000  }
0x9a: {  	[sflag:s9] =	ssyncset.done $0x0  }
0x9b: {  	[sflag:s9] =	ssyncadd.s32 $0xFFFFC000  }
0x9c: {  	_ =	swait.ge [sflag:s9], $0x4000  }
0x9d: {  	[sflag:s9] =	ssyncset.done $0x0  }
0x9e: {  	[sflag:s9] =	ssyncadd.s32 $0xFFFFC000  }
0x9f: {  	_ =	swait.ge [sflag:s9], $0x4000  }
0xa0: {  	[sflag:s9] =	ssyncset.done $0x0  }
0xa1: {  	[sflag:s9] =	ssyncadd.s32 $0xFFFFC000  }
0xa2: {  	[hbm4b:s5+s2] =	stream.linear.scatter [tilespmem:s7], [sflag:$0x2], $0x10000, $0x38;
	[tilespmem:$0x10200] =	vst v63  }
0xa3: {  	_ =	swait.ge [sflag:s3], $0x10000  }
0xa4: {  	[sflag:s3] =	ssyncset.done $0x0  }
0xa5: {  	[sflag:s3] =	ssyncadd.s32 $0xFFFF0000  }
0xa6: {  	_ =	sfence.sel $0x180000  }
0xa7: {  	[bflag:$0x0] =	sbarrier.arrive $0xFFFF  }
0xa8: {  	p0 =	sne.s32 s0, $0x0;
	_ =	strace $0x90000047  }
0xa9: {  	s0 =	sadd.s32 @!p0 $0x100000, s1;
	[bflag:$0x2] =	sbarrier.arrive $0xFFFF  }
0xaa: {  	[sflag:s0] =	ssyncadd.tile.s32 @!p0 $0x1;
	_ =	shalt  }
.Lfunc_end2:
_tile_overlayer_lowered:
.L_overlay_start_2:
0xab: {  	(tag) =	ssettag $0x2  }
0xac: {  	s0 =	rddreg [dreg:$0x0];
	s2 =	stileid.u32  }
0xad: {  	s1 =	rddreg [dreg:$0x1];
	p0 =	sne.s32 s2, $0x0  }
0xae: {  	s3 =	rddreg [dreg:$0x2];
	[bflag:$0x3] =	sbarrier.arrive $0xFFFF;
	s2 =	simm.s32 @!p0 $0x1C02  }
0xaf: {  	[timem:s3], [sflag:s2] =	dma.local @!p0 [hbm:s0], s1  }
0xb0: {  	s0 =	simm.s32 @!p0 $0x2  }
0xb1: {  	_ =	swait.ge @!p0 [sflag:s0], s1  }
0xb2: {  	s1 =	ssub.s32 @!p0 $0x0, s1;
	[sflag:s0] =	ssyncset.done @!p0 $0x0  }
0xb3: {  	[sflag:s0] =	ssyncadd.s32 @!p0 s1  }
0xb4: {  	[bflag:$0x3] =	sbarrier.arrive $0xFFFF  }
0xb5: {  	_ =	shalt  }

</sc_bundles>
